<compile_context>
chip_gen: v7x
topology: tpu7x:2x2x1
jax: 0.10.2.dev20260603
libtpu: 0.0.44.dev20260713+nightly
codegen_flags: <defaults>
</compile_context>

<pallas_src>
import functools

import jax
import jax.numpy as jnp
from jax import lax
from jax.experimental import pallas as pl
from jax.experimental.pallas import tpu as pltpu
from jax.experimental.pallas import tpu_sc as plsc

_OUTPUT_SIZE = 1024


@functools.lru_cache(maxsize=None)
def _make_gather(V, D, B):
    info = plsc.get_sparse_core_info()
    NC, NS = info.num_cores, info.num_subcores
    NW = NC * NS
    assert B % NW == 0 and (B // NW) % 8 == 0
    b_per_w = B // NW
    chunk = min(16, b_per_w)
    n_chunks = b_per_w // chunk
    nbuf = min(3, n_chunks)
    mesh = plsc.VectorSubcoreMesh(core_axis_name="c", subcore_axis_name="s")

    @functools.partial(
        pl.kernel,
        mesh=mesh,
        out_type=jax.ShapeDtypeStruct((B, D), jnp.float32),
        scratch_types=[
            pltpu.VMEM((b_per_w,), jnp.int32),
        ]
        + [pltpu.VMEM((chunk, D), jnp.float32) for _ in range(nbuf)]
        + [pltpu.SemaphoreType.DMA for _ in range(2 * nbuf)],
    )
    def gather_kernel(table_hbm, idx_hbm, out_hbm, idx_v, *scratch):
        bufs = scratch[:nbuf]
        gsems = scratch[nbuf:2 * nbuf]
        wsems = scratch[2 * nbuf:]
        wid = lax.axis_index("s") * NC + lax.axis_index("c")
        base = wid * b_per_w
        pltpu.sync_copy(idx_hbm.at[pl.ds(base, b_per_w)], idx_v)

        def gather(c):
            return pltpu.async_copy(
                table_hbm.at[idx_v.at[pl.ds(c * chunk, chunk)]],
                bufs[c % nbuf], gsems[c % nbuf])

        def write(c):
            return pltpu.async_copy(
                bufs[c % nbuf], out_hbm.at[pl.ds(base + c * chunk, chunk)],
                wsems[c % nbuf])

        gh = [None] * n_chunks
        wh = [None] * n_chunks
        for c in range(min(nbuf, n_chunks)):
            gh[c] = gather(c)
        for c in range(n_chunks):
            gh[c].wait()
            wh[c] = write(c)
            nxt = c + 1
            if nxt >= nbuf and nxt < n_chunks:
                wh[nxt - nbuf].wait()
                gh[nxt] = gather(nxt)
        for c in range(max(0, n_chunks - nbuf), n_chunks):
            wh[c].wait()

    return gather_kernel


def kernel(inputs):
    B, L, D = inputs.shape
    key = jax.random.key(42)
    noise = jax.random.uniform(jax.random.fold_in(key, 1), (B, L))
    indices = jnp.argsort(noise, axis=-1)[:, :_OUTPUT_SIZE]
    indices = jnp.sort(indices, axis=-1)
    flat_idx = (indices + jnp.arange(B)[:, None] * L).reshape(-1).astype(jnp.int32)
    table = inputs.reshape(B * L, D)
    out = _make_gather(B * L, D, B * _OUTPUT_SIZE)(table, flat_idx)
    return out.reshape(B, _OUTPUT_SIZE, D)

# --- scband reference (transcript-rebuilt; emitter-appended) ---
"""Pipeline reference for scband-sparse-sample-5111011082392 (READ-ONLY COPY).

The authoritative reference and input builder live on the scoring server;
editing this copy changes nothing except your own understanding.
"""

import jax, jax.numpy as jnp
import numpy as np

OUTPUT_SIZE = 1024

def setup_inputs(seed: int = 0) -> dict:
    key = jax.random.key(seed)
    inputs = jax.random.normal(key, (4, 4096, 2048), dtype=jnp.float32)
    return {"inputs": inputs}

def reference(inputs):
    # Training-mode path of SparseSample: randomly choose OUTPUT_SIZE positions
    # along the sequence dim (without replacement, via argsort of uniform noise),
    # sort the chosen indices ascending, then gather.
    B, L, D = inputs.shape
    key = jax.random.key(42)
    # mirrors: x = torch.rand(B, L) (only used for its shape)
    _x = jax.random.uniform(jax.random.fold_in(key, 0), (B, L))
    noise = jax.random.uniform(jax.random.fold_in(key, 1), (B, L))
    indices = jnp.argsort(noise, axis=-1)
    indices = indices[:, :OUTPUT_SIZE]
    indices = jnp.sort(indices, axis=-1)
    # inputs[arange(B)[:, None], indices] -> gather along seq dim
    out = jnp.take_along_axis(inputs, indices[:, :, None], axis=1)
    return out

if __name__ == "__main__":
    import jax
    _d = setup_inputs()
    print(jax.jit(kernel)(*tuple(_d.values())))

</pallas_src>

<mosaic_0001>
#map = affine_map<(d0, d1) -> (0, 0)>
#map1 = affine_map<(d0, d1) -> (0)>
module attributes {stable_mosaic.version = 14 : i64} {
  func.func @gather_kernel(%arg0: i32, %arg1: i32, %arg2: memref<16384x2048xf32, #tpu.memory_space<hbm>>, %arg3: memref<4096xi32, #tpu.memory_space<hbm>>, %arg4: memref<4096x2048xf32, #tpu.memory_space<hbm>>, %arg5: memref<128xi32, #tpu.memory_space<vmem>>, %arg6: memref<16x2048xf32, #tpu.memory_space<vmem>>, %arg7: memref<16x2048xf32, #tpu.memory_space<vmem>>, %arg8: memref<16x2048xf32, #tpu.memory_space<vmem>>, %arg9: memref<!tpu.dma_semaphore, #tpu.memory_space<semaphore_mem>>, %arg10: memref<!tpu.dma_semaphore, #tpu.memory_space<semaphore_mem>>, %arg11: memref<!tpu.dma_semaphore, #tpu.memory_space<semaphore_mem>>, %arg12: memref<!tpu.dma_semaphore, #tpu.memory_space<semaphore_mem>>, %arg13: memref<!tpu.dma_semaphore, #tpu.memory_space<semaphore_mem>>, %arg14: memref<!tpu.dma_semaphore, #tpu.memory_space<semaphore_mem>>) attributes {dimension_semantics = [#tpu.dimension_semantics<core_parallel>, #tpu.dimension_semantics<subcore_parallel>], iteration_bounds = array<i64: 2, 16>, scalar_prefetch = 0 : i64, scratch_operands = 10 : i64, tpu.core_type = #tpu.core_type<sc_vector_subcore>, window_params = [{transform_indices = #map}, {transform_indices = #map1}, {transform_indices = #map}]} {
    %mul3A = arith.constant 2 : i32
    %mul3A_0 = arith.muli %arg1, %mul3A : i32
    %add3A = arith.addi %mul3A_0, %arg0 : i32
    %mul3A_1 = arith.constant 128 : i32
    %mul3A_2 = arith.muli %add3A, %mul3A_1 : i32
    "tpu.region"() ({
      %run_scoped3A = tpu.sem_alloc : memref<!tpu.dma_semaphore, #tpu.memory_space<semaphore_mem>>
      %dma_start3A_161 = tpu.memref_slice %arg3[%mul3A_2] : memref<4096xi32, #tpu.memory_space<hbm>> -> memref<128xi32, #tpu.memory_space<hbm>>
      %dma_start3A_162 = tpu.memref_slice %arg3[%mul3A_2] : memref<4096xi32, #tpu.memory_space<hbm>> -> memref<128xi32, #tpu.memory_space<hbm>>
      tpu.enqueue_dma source(%dma_start3A_162 : memref<128xi32, #tpu.memory_space<hbm>>) target(%arg5 : memref<128xi32, #tpu.memory_space<vmem>>) target_semaphore(%run_scoped3A : memref<!tpu.dma_semaphore, #tpu.memory_space<semaphore_mem>>)
      %dma_wait3A_163 = tpu.memref_slice %arg3[%mul3A_2] : memref<4096xi32, #tpu.memory_space<hbm>> -> memref<128xi32, #tpu.memory_space<hbm>>
      %dma_wait3A_164 = tpu.memref_slice %arg3[%mul3A_2] : memref<4096xi32, #tpu.memory_space<hbm>> -> memref<128xi32, #tpu.memory_space<hbm>>
      tpu.wait_dma2 semaphore(%run_scoped3A : memref<!tpu.dma_semaphore, #tpu.memory_space<semaphore_mem>>) src(%dma_wait3A_164 : memref<128xi32, #tpu.memory_space<hbm>>) dst(%arg5 : memref<128xi32, #tpu.memory_space<vmem>>)
      tpu.yield
    }) : () -> ()
    %dma_start3A = arith.constant 0 : i32
    %dma_start3A_3 = tpu.memref_slice %arg5[%dma_start3A] : memref<128xi32, #tpu.memory_space<vmem>> -> memref<16xi32, #tpu.memory_space<vmem>>
    %dma_start3A_4 = arith.constant 0 : i32
    %dma_start3A_5 = arith.constant 0 : i32
    %dma_start3A_6 = tpu.memref_slice %arg2[%dma_start3A_4, %dma_start3A_5] : memref<16384x2048xf32, #tpu.memory_space<hbm>> -> memref<16384x2048xf32, #tpu.memory_space<hbm>>
    tpu.enqueue_indirect_dma source(%dma_start3A_6 : memref<16384x2048xf32, #tpu.memory_space<hbm>>) target(%arg6 : memref<16x2048xf32, #tpu.memory_space<vmem>>) offsets(%dma_start3A_3 : memref<16xi32, #tpu.memory_space<vmem>>) semaphore(%arg9 : memref<!tpu.dma_semaphore, #tpu.memory_space<semaphore_mem>>)
    %dma_start3A_7 = arith.constant 16 : i32
    %dma_start3A_8 = tpu.memref_slice %arg5[%dma_start3A_7] : memref<128xi32, #tpu.memory_space<vmem>> -> memref<16xi32, #tpu.memory_space<vmem>>
    %dma_start3A_9 = arith.constant 0 : i32
    %dma_start3A_10 = arith.constant 0 : i32
    %dma_start3A_11 = tpu.memref_slice %arg2[%dma_start3A_9, %dma_start3A_10] : memref<16384x2048xf32, #tpu.memory_space<hbm>> -> memref<16384x2048xf32, #tpu.memory_space<hbm>>
    tpu.enqueue_indirect_dma source(%dma_start3A_11 : memref<16384x2048xf32, #tpu.memory_space<hbm>>) target(%arg7 : memref<16x2048xf32, #tpu.memory_space<vmem>>) offsets(%dma_start3A_8 : memref<16xi32, #tpu.memory_space<vmem>>) semaphore(%arg10 : memref<!tpu.dma_semaphore, #tpu.memory_space<semaphore_mem>>)
    %dma_start3A_12 = arith.constant 32 : i32
    %dma_start3A_13 = tpu.memref_slice %arg5[%dma_start3A_12] : memref<128xi32, #tpu.memory_space<vmem>> -> memref<16xi32, #tpu.memory_space<vmem>>
    %dma_start3A_14 = arith.constant 0 : i32
    %dma_start3A_15 = arith.constant 0 : i32
    %dma_start3A_16 = tpu.memref_slice %arg2[%dma_start3A_14, %dma_start3A_15] : memref<16384x2048xf32, #tpu.memory_space<hbm>> -> memref<16384x2048xf32, #tpu.memory_space<hbm>>
    tpu.enqueue_indirect_dma source(%dma_start3A_16 : memref<16384x2048xf32, #tpu.memory_space<hbm>>) target(%arg8 : memref<16x2048xf32, #tpu.memory_space<vmem>>) offsets(%dma_start3A_13 : memref<16xi32, #tpu.memory_space<vmem>>) semaphore(%arg11 : memref<!tpu.dma_semaphore, #tpu.memory_space<semaphore_mem>>)
    %dma_wait3A = arith.constant 0 : i32
    %dma_wait3A_17 = tpu.memref_slice %arg5[%dma_wait3A] : memref<128xi32, #tpu.memory_space<vmem>> -> memref<16xi32, #tpu.memory_space<vmem>>
    %dma_wait3A_18 = arith.constant 0 : i32
    %dma_wait3A_19 = arith.constant 0 : i32
    %dma_wait3A_20 = tpu.memref_slice %arg2[%dma_wait3A_18, %dma_wait3A_19] : memref<16384x2048xf32, #tpu.memory_space<hbm>> -> memref<16384x2048xf32, #tpu.memory_space<hbm>>
    tpu.wait_indirect_dma semaphore(%arg9 : memref<!tpu.dma_semaphore, #tpu.memory_space<semaphore_mem>>) src(%dma_wait3A_20 : memref<16384x2048xf32, #tpu.memory_space<hbm>>) dst(%arg6 : memref<16x2048xf32, #tpu.memory_space<vmem>>)
    %add3A_21 = arith.constant 0 : i32
    %add3A_22 = arith.addi %mul3A_2, %add3A_21 : i32
    %dma_start3A_23 = arith.constant 0 : i32
    %dma_start3A_24 = tpu.memref_slice %arg4[%add3A_22, %dma_start3A_23] : memref<4096x2048xf32, #tpu.memory_space<hbm>> -> memref<16x2048xf32, #tpu.memory_space<hbm>>
    %dma_start3A_25 = arith.constant 0 : i32
    %dma_start3A_26 = tpu.memref_slice %arg4[%add3A_22, %dma_start3A_25] : memref<4096x2048xf32, #tpu.memory_space<hbm>> -> memref<16x2048xf32, #tpu.memory_space<hbm>>
    tpu.enqueue_dma source(%arg6 : memref<16x2048xf32, #tpu.memory_space<vmem>>) target(%dma_start3A_26 : memref<16x2048xf32, #tpu.memory_space<hbm>>) target_semaphore(%arg12 : memref<!tpu.dma_semaphore, #tpu.memory_space<semaphore_mem>>)
    %dma_wait3A_27 = arith.constant 16 : i32
    %dma_wait3A_28 = tpu.memref_slice %arg5[%dma_wait3A_27] : memref<128xi32, #tpu.memory_space<vmem>> -> memref<16xi32, #tpu.memory_space<vmem>>
    %dma_wait3A_29 = arith.constant 0 : i32
    %dma_wait3A_30 = arith.constant 0 : i32
    %dma_wait3A_31 = tpu.memref_slice %arg2[%dma_wait3A_29, %dma_wait3A_30] : memref<16384x2048xf32, #tpu.memory_space<hbm>> -> memref<16384x2048xf32, #tpu.memory_space<hbm>>
    tpu.wait_indirect_dma semaphore(%arg10 : memref<!tpu.dma_semaphore, #tpu.memory_space<semaphore_mem>>) src(%dma_wait3A_31 : memref<16384x2048xf32, #tpu.memory_space<hbm>>) dst(%arg7 : memref<16x2048xf32, #tpu.memory_space<vmem>>)
    %add3A_32 = arith.constant 16 : i32
    %add3A_33 = arith.addi %mul3A_2, %add3A_32 : i32
    %dma_start3A_34 = arith.constant 0 : i32
    %dma_start3A_35 = tpu.memref_slice %arg4[%add3A_33, %dma_start3A_34] : memref<4096x2048xf32, #tpu.memory_space<hbm>> -> memref<16x2048xf32, #tpu.memory_space<hbm>>
    %dma_start3A_36 = arith.constant 0 : i32
    %dma_start3A_37 = tpu.memref_slice %arg4[%add3A_33, %dma_start3A_36] : memref<4096x2048xf32, #tpu.memory_space<hbm>> -> memref<16x2048xf32, #tpu.memory_space<hbm>>
    tpu.enqueue_dma source(%arg7 : memref<16x2048xf32, #tpu.memory_space<vmem>>) target(%dma_start3A_37 : memref<16x2048xf32, #tpu.memory_space<hbm>>) target_semaphore(%arg13 : memref<!tpu.dma_semaphore, #tpu.memory_space<semaphore_mem>>)
    %dma_wait3A_38 = arith.constant 32 : i32
    %dma_wait3A_39 = tpu.memref_slice %arg5[%dma_wait3A_38] : memref<128xi32, #tpu.memory_space<vmem>> -> memref<16xi32, #tpu.memory_space<vmem>>
    %dma_wait3A_40 = arith.constant 0 : i32
    %dma_wait3A_41 = arith.constant 0 : i32
    %dma_wait3A_42 = tpu.memref_slice %arg2[%dma_wait3A_40, %dma_wait3A_41] : memref<16384x2048xf32, #tpu.memory_space<hbm>> -> memref<16384x2048xf32, #tpu.memory_space<hbm>>
    tpu.wait_indirect_dma semaphore(%arg11 : memref<!tpu.dma_semaphore, #tpu.memory_space<semaphore_mem>>) src(%dma_wait3A_42 : memref<16384x2048xf32, #tpu.memory_space<hbm>>) dst(%arg8 : memref<16x2048xf32, #tpu.memory_space<vmem>>)
    %add3A_43 = arith.constant 32 : i32
    %add3A_44 = arith.addi %mul3A_2, %add3A_43 : i32
    %dma_start3A_45 = arith.constant 0 : i32
    %dma_start3A_46 = tpu.memref_slice %arg4[%add3A_44, %dma_start3A_45] : memref<4096x2048xf32, #tpu.memory_space<hbm>> -> memref<16x2048xf32, #tpu.memory_space<hbm>>
    %dma_start3A_47 = arith.constant 0 : i32
    %dma_start3A_48 = tpu.memref_slice %arg4[%add3A_44, %dma_start3A_47] : memref<4096x2048xf32, #tpu.memory_space<hbm>> -> memref<16x2048xf32, #tpu.memory_space<hbm>>
    tpu.enqueue_dma source(%arg8 : memref<16x2048xf32, #tpu.memory_space<vmem>>) target(%dma_start3A_48 : memref<16x2048xf32, #tpu.memory_space<hbm>>) target_semaphore(%arg14 : memref<!tpu.dma_semaphore, #tpu.memory_space<semaphore_mem>>)
    %dma_wait3A_49 = arith.constant 0 : i32
    %dma_wait3A_50 = tpu.memref_slice %arg4[%add3A_22, %dma_wait3A_49] : memref<4096x2048xf32, #tpu.memory_space<hbm>> -> memref<16x2048xf32, #tpu.memory_space<hbm>>
    %dma_wait3A_51 = arith.constant 0 : i32
    %dma_wait3A_52 = tpu.memref_slice %arg4[%add3A_22, %dma_wait3A_51] : memref<4096x2048xf32, #tpu.memory_space<hbm>> -> memref<16x2048xf32, #tpu.memory_space<hbm>>
    tpu.wait_dma2 semaphore(%arg12 : memref<!tpu.dma_semaphore, #tpu.memory_space<semaphore_mem>>) src(%arg6 : memref<16x2048xf32, #tpu.memory_space<vmem>>) dst(%dma_wait3A_52 : memref<16x2048xf32, #tpu.memory_space<hbm>>)
    %dma_start3A_53 = arith.constant 48 : i32
    %dma_start3A_54 = tpu.memref_slice %arg5[%dma_start3A_53] : memref<128xi32, #tpu.memory_space<vmem>> -> memref<16xi32, #tpu.memory_space<vmem>>
    %dma_start3A_55 = arith.constant 0 : i32
    %dma_start3A_56 = arith.constant 0 : i32
    %dma_start3A_57 = tpu.memref_slice %arg2[%dma_start3A_55, %dma_start3A_56] : memref<16384x2048xf32, #tpu.memory_space<hbm>> -> memref<16384x2048xf32, #tpu.memory_space<hbm>>
    tpu.enqueue_indirect_dma source(%dma_start3A_57 : memref<16384x2048xf32, #tpu.memory_space<hbm>>) target(%arg6 : memref<16x2048xf32, #tpu.memory_space<vmem>>) offsets(%dma_start3A_54 : memref<16xi32, #tpu.memory_space<vmem>>) semaphore(%arg9 : memref<!tpu.dma_semaphore, #tpu.memory_space<semaphore_mem>>)
    %dma_wait3A_58 = arith.constant 48 : i32
    %dma_wait3A_59 = tpu.memref_slice %arg5[%dma_wait3A_58] : memref<128xi32, #tpu.memory_space<vmem>> -> memref<16xi32, #tpu.memory_space<vmem>>
    %dma_wait3A_60 = arith.constant 0 : i32
    %dma_wait3A_61 = arith.constant 0 : i32
    %dma_wait3A_62 = tpu.memref_slice %arg2[%dma_wait3A_60, %dma_wait3A_61] : memref<16384x2048xf32, #tpu.memory_space<hbm>> -> memref<16384x2048xf32, #tpu.memory_space<hbm>>
    tpu.wait_indirect_dma semaphore(%arg9 : memref<!tpu.dma_semaphore, #tpu.memory_space<semaphore_mem>>) src(%dma_wait3A_62 : memref<16384x2048xf32, #tpu.memory_space<hbm>>) dst(%arg6 : memref<16x2048xf32, #tpu.memory_space<vmem>>)
    %add3A_63 = arith.constant 48 : i32
    %add3A_64 = arith.addi %mul3A_2, %add3A_63 : i32
    %dma_start3A_65 = arith.constant 0 : i32
    %dma_start3A_66 = tpu.memref_slice %arg4[%add3A_64, %dma_start3A_65] : memref<4096x2048xf32, #tpu.memory_space<hbm>> -> memref<16x2048xf32, #tpu.memory_space<hbm>>
    %dma_start3A_67 = arith.constant 0 : i32
    %dma_start3A_68 = tpu.memref_slice %arg4[%add3A_64, %dma_start3A_67] : memref<4096x2048xf32, #tpu.memory_space<hbm>> -> memref<16x2048xf32, #tpu.memory_space<hbm>>
    tpu.enqueue_dma source(%arg6 : memref<16x2048xf32, #tpu.memory_space<vmem>>) target(%dma_start3A_68 : memref<16x2048xf32, #tpu.memory_space<hbm>>) target_semaphore(%arg12 : memref<!tpu.dma_semaphore, #tpu.memory_space<semaphore_mem>>)
    %dma_wait3A_69 = arith.constant 0 : i32
    %dma_wait3A_70 = tpu.memref_slice %arg4[%add3A_33, %dma_wait3A_69] : memref<4096x2048xf32, #tpu.memory_space<hbm>> -> memref<16x2048xf32, #tpu.memory_space<hbm>>
    %dma_wait3A_71 = arith.constant 0 : i32
    %dma_wait3A_72 = tpu.memref_slice %arg4[%add3A_33, %dma_wait3A_71] : memref<4096x2048xf32, #tpu.memory_space<hbm>> -> memref<16x2048xf32, #tpu.memory_space<hbm>>
    tpu.wait_dma2 semaphore(%arg13 : memref<!tpu.dma_semaphore, #tpu.memory_space<semaphore_mem>>) src(%arg7 : memref<16x2048xf32, #tpu.memory_space<vmem>>) dst(%dma_wait3A_72 : memref<16x2048xf32, #tpu.memory_space<hbm>>)
    %dma_start3A_73 = arith.constant 64 : i32
    %dma_start3A_74 = tpu.memref_slice %arg5[%dma_start3A_73] : memref<128xi32, #tpu.memory_space<vmem>> -> memref<16xi32, #tpu.memory_space<vmem>>
    %dma_start3A_75 = arith.constant 0 : i32
    %dma_start3A_76 = arith.constant 0 : i32
    %dma_start3A_77 = tpu.memref_slice %arg2[%dma_start3A_75, %dma_start3A_76] : memref<16384x2048xf32, #tpu.memory_space<hbm>> -> memref<16384x2048xf32, #tpu.memory_space<hbm>>
    tpu.enqueue_indirect_dma source(%dma_start3A_77 : memref<16384x2048xf32, #tpu.memory_space<hbm>>) target(%arg7 : memref<16x2048xf32, #tpu.memory_space<vmem>>) offsets(%dma_start3A_74 : memref<16xi32, #tpu.memory_space<vmem>>) semaphore(%arg10 : memref<!tpu.dma_semaphore, #tpu.memory_space<semaphore_mem>>)
    %dma_wait3A_78 = arith.constant 64 : i32
    %dma_wait3A_79 = tpu.memref_slice %arg5[%dma_wait3A_78] : memref<128xi32, #tpu.memory_space<vmem>> -> memref<16xi32, #tpu.memory_space<vmem>>
    %dma_wait3A_80 = arith.constant 0 : i32
    %dma_wait3A_81 = arith.constant 0 : i32
    %dma_wait3A_82 = tpu.memref_slice %arg2[%dma_wait3A_80, %dma_wait3A_81] : memref<16384x2048xf32, #tpu.memory_space<hbm>> -> memref<16384x2048xf32, #tpu.memory_space<hbm>>
    tpu.wait_indirect_dma semaphore(%arg10 : memref<!tpu.dma_semaphore, #tpu.memory_space<semaphore_mem>>) src(%dma_wait3A_82 : memref<16384x2048xf32, #tpu.memory_space<hbm>>) dst(%arg7 : memref<16x2048xf32, #tpu.memory_space<vmem>>)
    %add3A_83 = arith.constant 64 : i32
    %add3A_84 = arith.addi %mul3A_2, %add3A_83 : i32
    %dma_start3A_85 = arith.constant 0 : i32
    %dma_start3A_86 = tpu.memref_slice %arg4[%add3A_84, %dma_start3A_85] : memref<4096x2048xf32, #tpu.memory_space<hbm>> -> memref<16x2048xf32, #tpu.memory_space<hbm>>
    %dma_start3A_87 = arith.constant 0 : i32
    %dma_start3A_88 = tpu.memref_slice %arg4[%add3A_84, %dma_start3A_87] : memref<4096x2048xf32, #tpu.memory_space<hbm>> -> memref<16x2048xf32, #tpu.memory_space<hbm>>
    tpu.enqueue_dma source(%arg7 : memref<16x2048xf32, #tpu.memory_space<vmem>>) target(%dma_start3A_88 : memref<16x2048xf32, #tpu.memory_space<hbm>>) target_semaphore(%arg13 : memref<!tpu.dma_semaphore, #tpu.memory_space<semaphore_mem>>)
    %dma_wait3A_89 = arith.constant 0 : i32
    %dma_wait3A_90 = tpu.memref_slice %arg4[%add3A_44, %dma_wait3A_89] : memref<4096x2048xf32, #tpu.memory_space<hbm>> -> memref<16x2048xf32, #tpu.memory_space<hbm>>
    %dma_wait3A_91 = arith.constant 0 : i32
    %dma_wait3A_92 = tpu.memref_slice %arg4[%add3A_44, %dma_wait3A_91] : memref<4096x2048xf32, #tpu.memory_space<hbm>> -> memref<16x2048xf32, #tpu.memory_space<hbm>>
    tpu.wait_dma2 semaphore(%arg14 : memref<!tpu.dma_semaphore, #tpu.memory_space<semaphore_mem>>) src(%arg8 : memref<16x2048xf32, #tpu.memory_space<vmem>>) dst(%dma_wait3A_92 : memref<16x2048xf32, #tpu.memory_space<hbm>>)
    %dma_start3A_93 = arith.constant 80 : i32
    %dma_start3A_94 = tpu.memref_slice %arg5[%dma_start3A_93] : memref<128xi32, #tpu.memory_space<vmem>> -> memref<16xi32, #tpu.memory_space<vmem>>
    %dma_start3A_95 = arith.constant 0 : i32
    %dma_start3A_96 = arith.constant 0 : i32
    %dma_start3A_97 = tpu.memref_slice %arg2[%dma_start3A_95, %dma_start3A_96] : memref<16384x2048xf32, #tpu.memory_space<hbm>> -> memref<16384x2048xf32, #tpu.memory_space<hbm>>
    tpu.enqueue_indirect_dma source(%dma_start3A_97 : memref<16384x2048xf32, #tpu.memory_space<hbm>>) target(%arg8 : memref<16x2048xf32, #tpu.memory_space<vmem>>) offsets(%dma_start3A_94 : memref<16xi32, #tpu.memory_space<vmem>>) semaphore(%arg11 : memref<!tpu.dma_semaphore, #tpu.memory_space<semaphore_mem>>)
    %dma_wait3A_98 = arith.constant 80 : i32
    %dma_wait3A_99 = tpu.memref_slice %arg5[%dma_wait3A_98] : memref<128xi32, #tpu.memory_space<vmem>> -> memref<16xi32, #tpu.memory_space<vmem>>
    %dma_wait3A_100 = arith.constant 0 : i32
    %dma_wait3A_101 = arith.constant 0 : i32
    %dma_wait3A_102 = tpu.memref_slice %arg2[%dma_wait3A_100, %dma_wait3A_101] : memref<16384x2048xf32, #tpu.memory_space<hbm>> -> memref<16384x2048xf32, #tpu.memory_space<hbm>>
    tpu.wait_indirect_dma semaphore(%arg11 : memref<!tpu.dma_semaphore, #tpu.memory_space<semaphore_mem>>) src(%dma_wait3A_102 : memref<16384x2048xf32, #tpu.memory_space<hbm>>) dst(%arg8 : memref<16x2048xf32, #tpu.memory_space<vmem>>)
    %add3A_103 = arith.constant 80 : i32
    %add3A_104 = arith.addi %mul3A_2, %add3A_103 : i32
    %dma_start3A_105 = arith.constant 0 : i32
    %dma_start3A_106 = tpu.memref_slice %arg4[%add3A_104, %dma_start3A_105] : memref<4096x2048xf32, #tpu.memory_space<hbm>> -> memref<16x2048xf32, #tpu.memory_space<hbm>>
    %dma_start3A_107 = arith.constant 0 : i32
    %dma_start3A_108 = tpu.memref_slice %arg4[%add3A_104, %dma_start3A_107] : memref<4096x2048xf32, #tpu.memory_space<hbm>> -> memref<16x2048xf32, #tpu.memory_space<hbm>>
    tpu.enqueue_dma source(%arg8 : memref<16x2048xf32, #tpu.memory_space<vmem>>) target(%dma_start3A_108 : memref<16x2048xf32, #tpu.memory_space<hbm>>) target_semaphore(%arg14 : memref<!tpu.dma_semaphore, #tpu.memory_space<semaphore_mem>>)
    %dma_wait3A_109 = arith.constant 0 : i32
    %dma_wait3A_110 = tpu.memref_slice %arg4[%add3A_64, %dma_wait3A_109] : memref<4096x2048xf32, #tpu.memory_space<hbm>> -> memref<16x2048xf32, #tpu.memory_space<hbm>>
    %dma_wait3A_111 = arith.constant 0 : i32
    %dma_wait3A_112 = tpu.memref_slice %arg4[%add3A_64, %dma_wait3A_111] : memref<4096x2048xf32, #tpu.memory_space<hbm>> -> memref<16x2048xf32, #tpu.memory_space<hbm>>
    tpu.wait_dma2 semaphore(%arg12 : memref<!tpu.dma_semaphore, #tpu.memory_space<semaphore_mem>>) src(%arg6 : memref<16x2048xf32, #tpu.memory_space<vmem>>) dst(%dma_wait3A_112 : memref<16x2048xf32, #tpu.memory_space<hbm>>)
    %dma_start3A_113 = arith.constant 96 : i32
    %dma_start3A_114 = tpu.memref_slice %arg5[%dma_start3A_113] : memref<128xi32, #tpu.memory_space<vmem>> -> memref<16xi32, #tpu.memory_space<vmem>>
    %dma_start3A_115 = arith.constant 0 : i32
    %dma_start3A_116 = arith.constant 0 : i32
    %dma_start3A_117 = tpu.memref_slice %arg2[%dma_start3A_115, %dma_start3A_116] : memref<16384x2048xf32, #tpu.memory_space<hbm>> -> memref<16384x2048xf32, #tpu.memory_space<hbm>>
    tpu.enqueue_indirect_dma source(%dma_start3A_117 : memref<16384x2048xf32, #tpu.memory_space<hbm>>) target(%arg6 : memref<16x2048xf32, #tpu.memory_space<vmem>>) offsets(%dma_start3A_114 : memref<16xi32, #tpu.memory_space<vmem>>) semaphore(%arg9 : memref<!tpu.dma_semaphore, #tpu.memory_space<semaphore_mem>>)
    %dma_wait3A_118 = arith.constant 96 : i32
    %dma_wait3A_119 = tpu.memref_slice %arg5[%dma_wait3A_118] : memref<128xi32, #tpu.memory_space<vmem>> -> memref<16xi32, #tpu.memory_space<vmem>>
    %dma_wait3A_120 = arith.constant 0 : i32
    %dma_wait3A_121 = arith.constant 0 : i32
    %dma_wait3A_122 = tpu.memref_slice %arg2[%dma_wait3A_120, %dma_wait3A_121] : memref<16384x2048xf32, #tpu.memory_space<hbm>> -> memref<16384x2048xf32, #tpu.memory_space<hbm>>
    tpu.wait_indirect_dma semaphore(%arg9 : memref<!tpu.dma_semaphore, #tpu.memory_space<semaphore_mem>>) src(%dma_wait3A_122 : memref<16384x2048xf32, #tpu.memory_space<hbm>>) dst(%arg6 : memref<16x2048xf32, #tpu.memory_space<vmem>>)
    %add3A_123 = arith.constant 96 : i32
    %add3A_124 = arith.addi %mul3A_2, %add3A_123 : i32
    %dma_start3A_125 = arith.constant 0 : i32
    %dma_start3A_126 = tpu.memref_slice %arg4[%add3A_124, %dma_start3A_125] : memref<4096x2048xf32, #tpu.memory_space<hbm>> -> memref<16x2048xf32, #tpu.memory_space<hbm>>
    %dma_start3A_127 = arith.constant 0 : i32
    %dma_start3A_128 = tpu.memref_slice %arg4[%add3A_124, %dma_start3A_127] : memref<4096x2048xf32, #tpu.memory_space<hbm>> -> memref<16x2048xf32, #tpu.memory_space<hbm>>
    tpu.enqueue_dma source(%arg6 : memref<16x2048xf32, #tpu.memory_space<vmem>>) target(%dma_start3A_128 : memref<16x2048xf32, #tpu.memory_space<hbm>>) target_semaphore(%arg12 : memref<!tpu.dma_semaphore, #tpu.memory_space<semaphore_mem>>)
    %dma_wait3A_129 = arith.constant 0 : i32
    %dma_wait3A_130 = tpu.memref_slice %arg4[%add3A_84, %dma_wait3A_129] : memref<4096x2048xf32, #tpu.memory_space<hbm>> -> memref<16x2048xf32, #tpu.memory_space<hbm>>
    %dma_wait3A_131 = arith.constant 0 : i32
    %dma_wait3A_132 = tpu.memref_slice %arg4[%add3A_84, %dma_wait3A_131] : memref<4096x2048xf32, #tpu.memory_space<hbm>> -> memref<16x2048xf32, #tpu.memory_space<hbm>>
    tpu.wait_dma2 semaphore(%arg13 : memref<!tpu.dma_semaphore, #tpu.memory_space<semaphore_mem>>) src(%arg7 : memref<16x2048xf32, #tpu.memory_space<vmem>>) dst(%dma_wait3A_132 : memref<16x2048xf32, #tpu.memory_space<hbm>>)
    %dma_start3A_133 = arith.constant 112 : i32
    %dma_start3A_134 = tpu.memref_slice %arg5[%dma_start3A_133] : memref<128xi32, #tpu.memory_space<vmem>> -> memref<16xi32, #tpu.memory_space<vmem>>
    %dma_start3A_135 = arith.constant 0 : i32
    %dma_start3A_136 = arith.constant 0 : i32
    %dma_start3A_137 = tpu.memref_slice %arg2[%dma_start3A_135, %dma_start3A_136] : memref<16384x2048xf32, #tpu.memory_space<hbm>> -> memref<16384x2048xf32, #tpu.memory_space<hbm>>
    tpu.enqueue_indirect_dma source(%dma_start3A_137 : memref<16384x2048xf32, #tpu.memory_space<hbm>>) target(%arg7 : memref<16x2048xf32, #tpu.memory_space<vmem>>) offsets(%dma_start3A_134 : memref<16xi32, #tpu.memory_space<vmem>>) semaphore(%arg10 : memref<!tpu.dma_semaphore, #tpu.memory_space<semaphore_mem>>)
    %dma_wait3A_138 = arith.constant 112 : i32
    %dma_wait3A_139 = tpu.memref_slice %arg5[%dma_wait3A_138] : memref<128xi32, #tpu.memory_space<vmem>> -> memref<16xi32, #tpu.memory_space<vmem>>
    %dma_wait3A_140 = arith.constant 0 : i32
    %dma_wait3A_141 = arith.constant 0 : i32
    %dma_wait3A_142 = tpu.memref_slice %arg2[%dma_wait3A_140, %dma_wait3A_141] : memref<16384x2048xf32, #tpu.memory_space<hbm>> -> memref<16384x2048xf32, #tpu.memory_space<hbm>>
    tpu.wait_indirect_dma semaphore(%arg10 : memref<!tpu.dma_semaphore, #tpu.memory_space<semaphore_mem>>) src(%dma_wait3A_142 : memref<16384x2048xf32, #tpu.memory_space<hbm>>) dst(%arg7 : memref<16x2048xf32, #tpu.memory_space<vmem>>)
    %add3A_143 = arith.constant 112 : i32
    %add3A_144 = arith.addi %mul3A_2, %add3A_143 : i32
    %dma_start3A_145 = arith.constant 0 : i32
    %dma_start3A_146 = tpu.memref_slice %arg4[%add3A_144, %dma_start3A_145] : memref<4096x2048xf32, #tpu.memory_space<hbm>> -> memref<16x2048xf32, #tpu.memory_space<hbm>>
    %dma_start3A_147 = arith.constant 0 : i32
    %dma_start3A_148 = tpu.memref_slice %arg4[%add3A_144, %dma_start3A_147] : memref<4096x2048xf32, #tpu.memory_space<hbm>> -> memref<16x2048xf32, #tpu.memory_space<hbm>>
    tpu.enqueue_dma source(%arg7 : memref<16x2048xf32, #tpu.memory_space<vmem>>) target(%dma_start3A_148 : memref<16x2048xf32, #tpu.memory_space<hbm>>) target_semaphore(%arg13 : memref<!tpu.dma_semaphore, #tpu.memory_space<semaphore_mem>>)
    %dma_wait3A_149 = arith.constant 0 : i32
    %dma_wait3A_150 = tpu.memref_slice %arg4[%add3A_104, %dma_wait3A_149] : memref<4096x2048xf32, #tpu.memory_space<hbm>> -> memref<16x2048xf32, #tpu.memory_space<hbm>>
    %dma_wait3A_151 = arith.constant 0 : i32
    %dma_wait3A_152 = tpu.memref_slice %arg4[%add3A_104, %dma_wait3A_151] : memref<4096x2048xf32, #tpu.memory_space<hbm>> -> memref<16x2048xf32, #tpu.memory_space<hbm>>
    tpu.wait_dma2 semaphore(%arg14 : memref<!tpu.dma_semaphore, #tpu.memory_space<semaphore_mem>>) src(%arg8 : memref<16x2048xf32, #tpu.memory_space<vmem>>) dst(%dma_wait3A_152 : memref<16x2048xf32, #tpu.memory_space<hbm>>)
    %dma_wait3A_153 = arith.constant 0 : i32
    %dma_wait3A_154 = tpu.memref_slice %arg4[%add3A_124, %dma_wait3A_153] : memref<4096x2048xf32, #tpu.memory_space<hbm>> -> memref<16x2048xf32, #tpu.memory_space<hbm>>
    %dma_wait3A_155 = arith.constant 0 : i32
    %dma_wait3A_156 = tpu.memref_slice %arg4[%add3A_124, %dma_wait3A_155] : memref<4096x2048xf32, #tpu.memory_space<hbm>> -> memref<16x2048xf32, #tpu.memory_space<hbm>>
    tpu.wait_dma2 semaphore(%arg12 : memref<!tpu.dma_semaphore, #tpu.memory_space<semaphore_mem>>) src(%arg6 : memref<16x2048xf32, #tpu.memory_space<vmem>>) dst(%dma_wait3A_156 : memref<16x2048xf32, #tpu.memory_space<hbm>>)
    %dma_wait3A_157 = arith.constant 0 : i32
    %dma_wait3A_158 = tpu.memref_slice %arg4[%add3A_144, %dma_wait3A_157] : memref<4096x2048xf32, #tpu.memory_space<hbm>> -> memref<16x2048xf32, #tpu.memory_space<hbm>>
    %dma_wait3A_159 = arith.constant 0 : i32
    %dma_wait3A_160 = tpu.memref_slice %arg4[%add3A_144, %dma_wait3A_159] : memref<4096x2048xf32, #tpu.memory_space<hbm>> -> memref<16x2048xf32, #tpu.memory_space<hbm>>
    tpu.wait_dma2 semaphore(%arg13 : memref<!tpu.dma_semaphore, #tpu.memory_space<semaphore_mem>>) src(%arg7 : memref<16x2048xf32, #tpu.memory_space<vmem>>) dst(%dma_wait3A_160 : memref<16x2048xf32, #tpu.memory_space<hbm>>)
    return
  }
}

</mosaic_0001>

<sc_bundles>
// kernel: kernel.5.cloned.1.call-start
scs
__scs_entry_jumppad:
0x0: {  	(pc) =	sbr.rel $0x88, $3  }
0x1: {  	(tag) =	ssettag $0x0;
	lr =	simm.s32 $0x1  }
0x2: {  	[smem:$0x3FA0] =	sst lr;
	_ =	strace $0xD0000000  }
0x3: {  	_ = 	snop  }
0x4: {  	_ = 	snop  }
0x5: {  	_ = 	snop  }
0x6: {  	_ = 	snop  }
0x7: {  	_ = 	snop  }
__scs_overlays_trampoline_lowered:
0x8: {  	[smem:$0x3FAF] =	sst s0  }
0x9: {  	[smem:$0x3FB0] =	sst s1  }
0xa: {  	[smem:$0x3FB1] =	sst s2  }
0xb: {  	[smem:$0x3FB2] =	sst s3  }
0xc: {  	[smem:$0x3FB3] =	sst s4  }
0xd: {  	[smem:$0x3FB4] =	sst s5  }
0xe: {  	[smem:$0x3FB5] =	sst s6  }
0xf: {  	[smem:$0x3FB6] =	sst s7  }
0x10: {  	[smem:$0x3FB7] =	sst s8  }
0x11: {  	[smem:$0x3FB8] =	sst s9;
	s0 =	simm.s32 @!p0 $0x0  }
0x12: {  	s1 =	sld [smem:$0x3F9E];
	s0 =	simm.s32 @p0 $0x1  }
0x13: {  	[smem:$0x3FB9] =	sst s0;
	s0 =	simm.s32 @!p1 $0x0  }
0x14: {  	s2 =	sld [smem:$0x3F9D];
	s0 =	simm.s32 @p1 $0x1  }
0x15: {  	[smem:$0x3FBA] =	sst s0;
	s0 =	simm.s32 @!p2 $0x0  }
0x16: {  	s3 =	sld [smem:$0x3FDB];
	s0 =	simm.s32 @p2 $0x1  }
0x17: {  	s4 =	simm.s32 $0x1BF5;
	[smem:$0x3FBC] =	sst s0  }
0x18: {  	s0 =	sld [smem:$0x3F9F];
	_ =	swait.ge [sflag:s4], $0x0  }
0x19: {  	s7 =	sld [smem:$0x3FA0]  }
0x1a: {  	s8 =	sadd.s32 $0xFFFFE003, lr  }
0x1b: {  	s9 =	sadd.s32 $0xFFFFFEF7, lr;
	s5 =	simm.s32 $0xFFFFFFFF;
	p2 =	slt.u32 s8, $0xFFFFF086  }
0x1c: {  	p1 =	slt.u32 s9, $0xF7A;
	s5 =	simm.s32 @!p2 $0x0  }
0x1d: {  	s5 =	simm.s32 @p1 $0x1;
	p0 =	seq.s32 s7, s2  }
0x1e: {  	s7 =	smul.u32 @!p0 $0xF7A, s2;
	p2 =	seq.s32 @!p0 s5, $0x0  }
0x1f: {  	s9 =	smul.u32 $0xF7A, s1;
	s8 =	simm.s32 @!p0 $0x1BF5;
	p2 =	por !p2, p0  }
0x20: {  	[sflag:s8] =	ssyncset.s32 @!p0 $0xFFFFF086;
	s6 =	sadd.s32 @!p0 s3, s7;
	s7 =	simm.s32 @!p0 $0x108  }
0x21: {  	s3 =	sadd.s32 s3, s9;
	s6 =	sadd.s32 @!p0 $0x88, s6;
	s7 =	simm.s32 @p2 $0x1082  }
0x22: {  	[simem:s7], [sflag:s8] =	dma.local @!p0 [hbm:s6], $0xF7A  }
0x23: {  	s9 =	sor.u32 $0xD0000000, s2;
	s6 =	simm.s32 $0x108;
	_ =	swait.ge @!p0 [sflag:s8], $0x0  }
0x24: {  	s3 =	sadd.s32 $0x88, s3;
	s6 =	simm.s32 @!p1 $0x1082;
	[sflag:s4] =	ssyncset.s32 $0xFFFFF086  }
0x25: {  	[simem:s6], [sflag:s4] =	dma.local [hbm:s3], $0xF7A  }
0x26: {  	[smem:$0x3FA0] =	sst s1;
	(tag) =	ssettag s2;
	_ =	strace s9  }
0x27: {  	s1 =	sld [smem:$0x3FB0]  }
0x28: {  	s2 =	sld [smem:$0x3FB1]  }
0x29: {  	s4 =	sld [smem:$0x3FB3]  }
0x2a: {  	p0 =	seq.s32 s5, $0x0;
	s5 =	sld [smem:$0x3FB4]  }
0x2b: {  	s6 =	sld [smem:$0x3FB5]  }
0x2c: {  	s7 =	sld [smem:$0x3FB6]  }
0x2d: {  	s3 =	simm.s32 $0x108;
	s8 =	sld [smem:$0x3FB7]  }
0x2e: {  	s3 =	simm.s32 @!p0 $0x1082;
	s9 =	sld [smem:$0x3FB8]  }
0x2f: {  	lr =	sadd.s32 s0, s3;
	s0 =	sld [smem:$0x3FAF]  }
0x30: {  	s3 =	sld [smem:$0x3FB2]  }
0x31: {  	[smem:$0x3FBB] =	sst s10  }
0x32: {  	s10 =	sld [smem:$0x3FB9];
	_ =	sdelay $0x3  }
0x33: {  	p0 =	seq.s32 s10, $0x1;
	s10 =	sld [smem:$0x3FBB];
	_ =	sdelay $0x3  }
0x34: {  	[smem:$0x3FBB] =	sst s10  }
0x35: {  	s10 =	sld [smem:$0x3FBA];
	_ =	sdelay $0x3  }
0x36: {  	p1 =	seq.s32 s10, $0x1;
	s10 =	sld [smem:$0x3FBB];
	_ =	sdelay $0x3  }
0x37: {  	[smem:$0x3FBB] =	sst s10  }
0x38: {  	s10 =	sld [smem:$0x3FBC]  }
0x39: {  	_ = 	snop;
	(pc) =	sbr.ind lr, $3  }
0x3a: {  	_ = 	snop  }
0x3b: {  	_ = 	snop  }
0x3c: {  	p2 =	seq.s32 s10, $0x1;
	s10 =	sld [smem:$0x3FBB]  }
0x3d: {  	_ =	shalt  }
0x3e: {  	_ =	shalt  }
0x3f: {  	_ =	shalt  }
0x40: {  	_ =	shalt  }
0x41: {  	_ =	shalt  }
0x42: {  	_ =	shalt  }
0x43: {  	_ =	shalt  }
0x44: {  	_ =	shalt  }
0x45: {  	_ =	shalt  }
0x46: {  	_ =	shalt  }
0x47: {  	_ =	shalt  }
0x48: {  	_ =	shalt  }
0x49: {  	_ =	shalt  }
0x4a: {  	_ =	shalt  }
0x4b: {  	_ =	shalt  }
0x4c: {  	_ =	shalt  }
0x4d: {  	_ =	shalt  }
0x4e: {  	_ =	shalt  }
0x4f: {  	_ =	shalt  }
0x50: {  	_ =	shalt  }
0x51: {  	_ =	shalt  }
0x52: {  	_ =	shalt  }
0x53: {  	_ =	shalt  }
0x54: {  	_ =	shalt  }
0x55: {  	_ =	shalt  }
0x56: {  	_ =	shalt  }
0x57: {  	_ =	shalt  }
0x58: {  	_ =	shalt  }
0x59: {  	_ =	shalt  }
0x5a: {  	_ =	shalt  }
0x5b: {  	_ =	shalt  }
0x5c: {  	_ =	shalt  }
0x5d: {  	_ =	shalt  }
0x5e: {  	_ =	shalt  }
0x5f: {  	_ =	shalt  }
0x60: {  	_ =	shalt  }
0x61: {  	_ =	shalt  }
0x62: {  	_ =	shalt  }
0x63: {  	_ =	shalt  }
0x64: {  	_ =	shalt  }
0x65: {  	_ =	shalt  }
0x66: {  	_ =	shalt  }
0x67: {  	_ =	shalt  }
0x68: {  	_ =	shalt  }
0x69: {  	_ =	shalt  }
0x6a: {  	_ =	shalt  }
0x6b: {  	_ =	shalt  }
0x6c: {  	_ =	shalt  }
0x6d: {  	_ =	shalt  }
0x6e: {  	_ =	shalt  }
0x6f: {  	_ =	shalt  }
0x70: {  	_ =	shalt  }
0x71: {  	_ =	shalt  }
0x72: {  	_ =	shalt  }
0x73: {  	_ =	shalt  }
0x74: {  	_ =	shalt  }
0x75: {  	_ =	shalt  }
0x76: {  	_ =	shalt  }
0x77: {  	_ =	shalt  }
0x78: {  	_ =	shalt  }
0x79: {  	_ =	shalt  }
0x7a: {  	_ =	shalt  }
0x7b: {  	_ =	shalt  }
0x7c: {  	_ =	shalt  }
0x7d: {  	_ =	shalt  }
0x7e: {  	_ =	shalt  }
0x7f: {  	_ =	shalt  }
0x80: {  	_ =	shalt  }
0x81: {  	_ =	shalt  }
0x82: {  	_ =	shalt  }
0x83: {  	_ =	shalt  }
0x84: {  	_ =	shalt  }
0x85: {  	_ =	shalt  }
0x86: {  	_ =	shalt  }
0x87: {  	_ =	shalt  }
.Lfunc_end0:
.L_simem_size_0:
called_computation_lowered:
.L_overlay_start_0:
0x88: {  	s2 =	sld [smem:$0x3FD9]  }
0x89: {  	s3 =	sld [smem:$0x3FFE];
	_ =	sdelay $0x1  }
0x8a: {  	s1 =	srdreg.scid  }
0x8b: {  	s0 =	sand.u32 $0x1, s1  }
0x8c: {  	s17 =	sshll.u32 s0, $0xA;
	s2 =	sadd.s32 s3, s2  }
0x8d: {  	s2 =	sadd.s32 s2, s17  }
0x8e: {  	[smem:$0x3FC7] =	sst s2  }
0x8f: {  	_ = 	snop  }
0x90: {  	s2 =	sld [smem:$0x3FC9]  }
0x91: {  	s18 =	sld [smem:$0x3FD0];
	(tm) =	ssettm $0x1  }
0x92: {  	s4 =	sld [smem:$0x3FFB];
	_ =	sdelay $0x3  }
0x93: {  	_ =	strace s4  }
0x94: {  	s4 =	sld [smem:$0x3FFC];
	_ =	sdelay $0x3  }
0x95: {  	_ =	strace s4  }
0x96: {  	s4 =	sld [smem:$0x3FFD];
	_ =	sdelay $0x3  }
0x97: {  	_ =	strace s4  }
0x98: {  	_ =	strace $0x8FFFFFFF  }
0x99: {  	s19 =	sld [smem:$0x3FDB];
	_ =	sdelay $0x1  }
0x9a: {  	s5 =	simm.s32 $_scs_section_size  }
0x9b: {  	s6 =	simm.s32 $_size__tile_overlayer_lowered;
	s7 =	simm.s32 $_tile_overlayer_lowered  }
0x9c: {  	s22 =	simm.s32 $0x1BFF;
	s21 =	sshll.u32 s7, $0x1;
	s4 =	sadd.s32 s5, s19  }
0x9d: {  	s8 =	simm.s32 $0x0;
	s20 =	sshll.u32 s6, $0x1;
	s6 =	sadd.s32 s21, s4  }
0x9e: {  	[timem:s8], [sflag:s22] =	dma.local [hbm:s6], s20  }
0x9f: {  	_ =	swait.ge [sflag:s22], s20  }
0xa0: {  	s5 =	ssub.s32 $0x0, s20;
	[sflag:s22] =	ssyncset.done $0x0  }
0xa1: {  	[sflag:s22] =	ssyncadd.s32 s5;
	_ =	sdelay $0x1  }
0xa2: {  	s23 =	simm.s32 $0x1B8B  }
0xa3: {  	_ =	swait.ge [sflag:s23], $0x1  }
0xa4: {  	[sflag:s23] =	ssyncset.done $0x0  }
0xa5: {  	s25 =	simm.s32 $0x1B8E;
	s24 =	sld [smem:$0x3FFE];
	[sflag:s23] =	ssyncadd.s32 $0xFFFFFFFF  }
0xa6: {  	s26 =	simm.s32 $execute0_lowered;
	[smem:$0x3FD2] =	sst s25  }
0xa7: {  	s6 =	sshll.u32 s26, $0x1;
	_ =	strace $0x80000046;
	[dreg:$0x1] =	wrdreg $0xFFFFFFFF  }
0xa8: {  	s28 =	simm.s32 $_size_execute0_lowered;
	s4 =	sadd.s32 s4, s6;
	[dreg:$0x0] =	wrdreg $0x0  }
0xa9: {  	s6 =	sshll.u32 s28, $0x1;
	[dreg:$0x2] =	wrdreg s4  }
0xaa: {  	[dreg:$0x3] =	wrdreg s6  }
0xab: {  	[dreg:$0x4] =	wrdreg $0xC0  }
0xac: {  	_ =	task [dreg:s8], $0x5FFFF  }
0xad: {  	[dreg:$0x1] =	wrdreg $0xFFFFFFFF  }
0xae: {  	[dreg:$0x0] =	wrdreg $0x60  }
0xaf: {  	[dreg:$0x2] =	wrdreg s2  }
0xb0: {  	[dreg:$0x3] =	wrdreg s24  }
0xb1: {  	[dreg:$0x4] =	wrdreg s18  }
0xb2: {  	[dreg:$0x5] =	wrdreg $0x9  }
0xb3: {  	_ =	task.clear_ibuf [dreg:s8], $0x6FFFF;
	_ =	strace $0x90000046  }
0xb4: {  	s29 =	simm.s32 $0x9;
	_ =	strace $0x80000048  }
0xb5: {  	_ =	swait.ge [sflag:s29], $0x1  }
0xb6: {  	[sflag:s29] =	ssyncadd.s32 $0xFFFFFFFF  }
0xb7: {  	_ =	strace $0x90000048  }
0xb8: {  	_ =	sfence  }
0xb9: {  	s30 =	sld [smem:$0x0];
	_ =	sdelay $0x2  }
0xba: {  	s31 =	sshll.u32 s1, $0xD;
	s1 =	sshrl.u32 s1, $0x2  }
0xbb: {  	s3 =	sand.u32 $0x4000, s31;
	s1 =	sadd.s32 s1, s30  }
0xbc: {  	s0 =	sor.u32 s3, s0;
	s1 =	sshll.u32 s1, $0x11  }
0xbd: {  	s0 =	sor.u32 s1, s0  }
0xbe: {  	s0 =	sadd.s32 $0x8F2B, s0  }
0xbf: {  	[sflag:s0] =	ssyncadd.remote.s32 $0x1  }
0xc0: {  	_ =	sfence.sel $0xFFFF  }
0xc1: {  	[dreg:$0x0] =	wrdreg $0xFFFFFFFF;
	(pc) =	sbr.abs _section_cstart, $3  }
0xc2: {  	[dreg:$0x1] =	wrdreg $0xFFFFFFFF  }
0xc3: {  	_ =	task.clear_ibuf [dreg:s8], $0x2FFFF;
	_ =	strace $0x9FFFFFFF  }
0xc4: {  	(tm) =	ssettm $0x7FFFFFFF  }
0xc5: {  	_ =	shalt  }
tec
execute0_lowered:
.L_overlay_start_1:
0x0: {  	(tag) =	ssettag $0x1  }
0x1: {  	s1 =	rddreg [dreg:$0x0]  }
0x2: {  	s0 =	rddreg [dreg:$0x1]  }
0x3: {  	s2 =	rddreg [dreg:$0x2];
	s4 =	srdreg.scid;
	s3 =	simm.s32 $0x0  }
0x4: {  	s5 =	stileid.u32;
	s15 =	simm.s32 $0x1;
	s29 =	simm.s32 $0x2  }
0x5: {  	s31 =	simm.s32 $0x80;
	s30 =	simm.s32 $0x8080;
	s14 =	simm.s32 $0x10080  }
0x6: {  	s16 =	simm.s32 $0x11080;
	s17 =	simm.s32 $0x11880;
	s18 =	simm.s32 $0x12080  }
0x7: {  	s28 =	simm.s32 $0x3;
	s4 =	sand.u32 $0x1, s4;
	[smem:$0x7FF] =	sst s3  }
0x8: {  	s5 =	sshll.u32 s5, $0x8;
	s8 =	sadd.s32 $0x400, s1;
	s6 =	sshll.u32 s4, $0x7  }
0x9: {  	s9 =	sadd.s32 $0x500, s1;
	s10 =	sadd.s32 $0x600, s1;
	s5 =	sor.u32 s6, s5  }
0xa: {  	s11 =	sadd.s32 $0x700, s1;
	_ =	strace $0x80000047;
	s7 =	sshrl.u32 s5, $0x3  }
0xb: {  	s4 =	ssub.s32 $0x2, s4;
	s5 =	sshll.u32 s5, $0x8;
	s0 =	sadd.s32 s0, s7  }
0xc: {  	s19 =	sshrl.u32 s4, $0x1;
	s2 =	sadd.s32 s2, s5;
	[dreg:$0x4] =	wrdreg s0  }
0xd: {  	s6 =	sadd.s32 $0x200, s1;
	s20 =	sadd.s32 $0x1000, s2;
	[dreg:$0xc] =	wrdreg s2  }
0xe: {  	s4 =	ssub.s32 s4, s19;
	s21 =	sadd.s32 $0x2000, s2;
	[dreg:$0x5] =	wrdreg s20  }
0xf: {  	s19 =	simm.s32 $0x12880;
	s22 =	sadd.s32 $0x3000, s2;
	[dreg:$0x6] =	wrdreg s21  }
0x10: {  	s5 =	sadd.s32 $0x100, s1;
	s23 =	sadd.s32 $0x4000, s2;
	[dreg:$0x7] =	wrdreg s22  }
0x11: {  	s7 =	sadd.s32 $0x300, s1;
	s24 =	sadd.s32 $0x5000, s2;
	[dreg:$0x8] =	wrdreg s23  }
0x12: {  	s12 =	smax.u32 s4, $0x1;
	s25 =	sadd.s32 $0x6000, s2;
	[dreg:$0x9] =	wrdreg s24  }
0x13: {  	s26 =	sadd.s32 $0x7000, s2;
	s0 =	simm.s32 $0x4;
	[dreg:$0xa] =	wrdreg s25  }
0x14: {  	v2 =	vlaneseq.u32;
	s2 =	simm.s32 $0x5;
	[dreg:$0xb] =	wrdreg s26;
	s20 =	simm.s32 $0x13080  }
0x15: {  	vm0 =	vmmov $0xffff;
	v1 =	vshrl.u32 v2, $0x3;
	s21 =	simm.s32 $0x13880;
	s22 =	simm.s32 $0x14080;
	s23 =	simm.s32 $0x14880  }
0x16: {  	v0 =	vand.u32 $0x7, v2;
	v2 =	vor.u32 $0x8, v2;
	v1 =	vmul.u32 $0x8, v1;
	s24 =	simm.s32 $0x15080;
	s25 =	simm.s32 $0x15880;
	s26 =	simm.s32 $0x16080  }
.LBB2_1:
0x17: {  	s13 =	rddreg [dreg:$0x4];
	s4 =	simm.s32 $0x7  }
0x18: {  	[tilespmem:s3], [sflag:$0x7] =	stream.linear.gather [hbm4b:s13+s3], $0x80, $0x38;
	[tilespmem:$0x18080] =	vst v63  }
0x19: {  	_ =	swait.ge [sflag:s4], $0x80  }
0x1a: {  	[sflag:s4] =	ssyncset.done $0x0  }
0x1b: {  	[sflag:s4] =	ssyncadd.s32 $0xFFFFFF80  }
0x1c: {  	v3 =	vld [tilespmem:$0x0];
	_ =	sdelay $0x4  }
0x1d: {  	v4 =	vshll.u32 v3, $0x4  }
0x1e: {  	v3 =	vand.u32 $0x7, v3;
	v4 =	vand.u32 $0xFFFFFF80, v4  }
0x1f: {  	v3 =	vor.u32 v3, v4  }
0x20: {  	v4 =	vperm.xlane v3, v0;
	_ =	sdelay $0x1  }
0x21: {  	v4 =	vadd.s32 v1, v4;
	_ =	sdelay $0x4  }
0x22: {  	[tilespmem:s31], [sflag:$0x1] =	stream.indirect_vreg.gather [hbm4b:s1+s3], $0x80, v4, vm0, $0xb8;
	[tilespmem:$0x18080] =	vst v63  }
0x23: {  	s4 =	simm.s32 $0x880  }
0x24: {  	[tilespmem:s4], [sflag:$0x1] =	stream.indirect_vreg.gather [hbm4b:s5+s3], $0x80, v4, vm0, $0xb8;
	[tilespmem:$0x18080] =	vst v63  }
0x25: {  	s13 =	simm.s32 $0x1080  }
0x26: {  	[tilespmem:s13], [sflag:$0x1] =	stream.indirect_vreg.gather [hbm4b:s6+s3], $0x80, v4, vm0, $0xb8;
	[tilespmem:$0x18080] =	vst v63  }
0x27: {  	s13 =	simm.s32 $0x1880  }
0x28: {  	[tilespmem:s13], [sflag:$0x1] =	stream.indirect_vreg.gather [hbm4b:s7+s3], $0x80, v4, vm0, $0xb8;
	[tilespmem:$0x18080] =	vst v63  }
0x29: {  	s13 =	simm.s32 $0x2080  }
0x2a: {  	[tilespmem:s13], [sflag:$0x1] =	stream.indirect_vreg.gather [hbm4b:s8+s3], $0x80, v4, vm0, $0xb8;
	[tilespmem:$0x18080] =	vst v63  }
0x2b: {  	v3 =	vperm.xlane v3, v2;
	s13 =	simm.s32 $0x2880  }
0x2c: {  	[tilespmem:s13], [sflag:$0x1] =	stream.indirect_vreg.gather [hbm4b:s9+s3], $0x80, v4, vm0, $0xb8;
	[tilespmem:$0x18080] =	vst v63  }
0x2d: {  	v3 =	vadd.s32 v1, v3;
	s13 =	simm.s32 $0x3080  }
0x2e: {  	[tilespmem:s13], [sflag:$0x1] =	stream.indirect_vreg.gather [hbm4b:s10+s3], $0x80, v4, vm0, $0xb8;
	[tilespmem:$0x18080] =	vst v63  }
0x2f: {  	s13 =	simm.s32 $0x3880  }
0x30: {  	[tilespmem:s13], [sflag:$0x1] =	stream.indirect_vreg.gather [hbm4b:s11+s3], $0x80, v4, vm0, $0xb8;
	[tilespmem:$0x18080] =	vst v63  }
0x31: {  	s13 =	simm.s32 $0x4080  }
0x32: {  	[tilespmem:s13], [sflag:$0x1] =	stream.indirect_vreg.gather [hbm4b:s1+s3], $0x80, v3, vm0, $0xb8;
	[tilespmem:$0x18080] =	vst v63  }
0x33: {  	s13 =	simm.s32 $0x4880  }
0x34: {  	[tilespmem:s13], [sflag:$0x1] =	stream.indirect_vreg.gather [hbm4b:s5+s3], $0x80, v3, vm0, $0xb8;
	[tilespmem:$0x18080] =	vst v63  }
0x35: {  	s13 =	simm.s32 $0x5080  }
0x36: {  	[tilespmem:s13], [sflag:$0x1] =	stream.indirect_vreg.gather [hbm4b:s6+s3], $0x80, v3, vm0, $0xb8;
	[tilespmem:$0x18080] =	vst v63  }
0x37: {  	s13 =	simm.s32 $0x5880  }
0x38: {  	[tilespmem:s13], [sflag:$0x1] =	stream.indirect_vreg.gather [hbm4b:s7+s3], $0x80, v3, vm0, $0xb8;
	[tilespmem:$0x18080] =	vst v63  }
0x39: {  	s13 =	simm.s32 $0x6080  }
0x3a: {  	[tilespmem:s13], [sflag:$0x1] =	stream.indirect_vreg.gather [hbm4b:s8+s3], $0x80, v3, vm0, $0xb8;
	[tilespmem:$0x18080] =	vst v63  }
0x3b: {  	s13 =	simm.s32 $0x6880  }
0x3c: {  	[tilespmem:s13], [sflag:$0x1] =	stream.indirect_vreg.gather [hbm4b:s9+s3], $0x80, v3, vm0, $0xb8;
	[tilespmem:$0x18080] =	vst v63  }
0x3d: {  	s13 =	simm.s32 $0x7080  }
0x3e: {  	[tilespmem:s13], [sflag:$0x1] =	stream.indirect_vreg.gather [hbm4b:s10+s3], $0x80, v3, vm0, $0xb8;
	[tilespmem:$0x18080] =	vst v63  }
0x3f: {  	s13 =	simm.s32 $0x7880  }
0x40: {  	[tilespmem:s13], [sflag:$0x1] =	stream.indirect_vreg.gather [hbm4b:s11+s3], $0x80, v3, vm0, $0xb8;
	[tilespmem:$0x18080] =	vst v63  }
0x41: {  	v3 =	vld [tilespmem:$0x10];
	_ =	sdelay $0x4  }
0x42: {  	v57 =	vshll.u32 v3, $0x4  }
0x43: {  	v3 =	vand.u32 $0x7, v3;
	v4 =	vand.u32 $0xFFFFFF80, v57  }
0x44: {  	v3 =	vor.u32 v3, v4  }
0x45: {  	v4 =	vperm.xlane v3, v0;
	_ =	sdelay $0x1  }
0x46: {  	v4 =	vadd.s32 v1, v4;
	_ =	sdelay $0x4  }
0x47: {  	[tilespmem:s30], [sflag:$0x2] =	stream.indirect_vreg.gather [hbm4b:s1+s3], $0x80, v4, vm0, $0xb8;
	[tilespmem:$0x18080] =	vst v63  }
0x48: {  	s13 =	simm.s32 $0x8880  }
0x49: {  	[tilespmem:s13], [sflag:$0x2] =	stream.indirect_vreg.gather [hbm4b:s5+s3], $0x80, v4, vm0, $0xb8;
	[tilespmem:$0x18080] =	vst v63  }
0x4a: {  	s13 =	simm.s32 $0x9080  }
0x4b: {  	[tilespmem:s13], [sflag:$0x2] =	stream.indirect_vreg.gather [hbm4b:s6+s3], $0x80, v4, vm0, $0xb8;
	[tilespmem:$0x18080] =	vst v63  }
0x4c: {  	s13 =	simm.s32 $0x9880  }
0x4d: {  	[tilespmem:s13], [sflag:$0x2] =	stream.indirect_vreg.gather [hbm4b:s7+s3], $0x80, v4, vm0, $0xb8;
	[tilespmem:$0x18080] =	vst v63  }
0x4e: {  	s13 =	simm.s32 $0xA080  }
0x4f: {  	[tilespmem:s13], [sflag:$0x2] =	stream.indirect_vreg.gather [hbm4b:s8+s3], $0x80, v4, vm0, $0xb8;
	[tilespmem:$0x18080] =	vst v63  }
0x50: {  	v3 =	vperm.xlane v3, v2;
	s13 =	simm.s32 $0xA880  }
0x51: {  	[tilespmem:s13], [sflag:$0x2] =	stream.indirect_vreg.gather [hbm4b:s9+s3], $0x80, v4, vm0, $0xb8;
	[tilespmem:$0x18080] =	vst v63  }
0x52: {  	v3 =	vadd.s32 v1, v3;
	s13 =	simm.s32 $0xB080  }
0x53: {  	[tilespmem:s13], [sflag:$0x2] =	stream.indirect_vreg.gather [hbm4b:s10+s3], $0x80, v4, vm0, $0xb8;
	[tilespmem:$0x18080] =	vst v63  }
0x54: {  	s13 =	simm.s32 $0xB880  }
0x55: {  	[tilespmem:s13], [sflag:$0x2] =	stream.indirect_vreg.gather [hbm4b:s11+s3], $0x80, v4, vm0, $0xb8;
	[tilespmem:$0x18080] =	vst v63  }
0x56: {  	s13 =	simm.s32 $0xC080  }
0x57: {  	[tilespmem:s13], [sflag:$0x2] =	stream.indirect_vreg.gather [hbm4b:s1+s3], $0x80, v3, vm0, $0xb8;
	[tilespmem:$0x18080] =	vst v63  }
0x58: {  	s13 =	simm.s32 $0xC880  }
0x59: {  	[tilespmem:s13], [sflag:$0x2] =	stream.indirect_vreg.gather [hbm4b:s5+s3], $0x80, v3, vm0, $0xb8;
	[tilespmem:$0x18080] =	vst v63  }
0x5a: {  	s13 =	simm.s32 $0xD080  }
0x5b: {  	[tilespmem:s13], [sflag:$0x2] =	stream.indirect_vreg.gather [hbm4b:s6+s3], $0x80, v3, vm0, $0xb8;
	[tilespmem:$0x18080] =	vst v63  }
0x5c: {  	s13 =	simm.s32 $0xD880  }
0x5d: {  	[tilespmem:s13], [sflag:$0x2] =	stream.indirect_vreg.gather [hbm4b:s7+s3], $0x80, v3, vm0, $0xb8;
	[tilespmem:$0x18080] =	vst v63  }
0x5e: {  	s13 =	simm.s32 $0xE080  }
0x5f: {  	[tilespmem:s13], [sflag:$0x2] =	stream.indirect_vreg.gather [hbm4b:s8+s3], $0x80, v3, vm0, $0xb8;
	[tilespmem:$0x18080] =	vst v63  }
0x60: {  	s13 =	simm.s32 $0xE880  }
0x61: {  	[tilespmem:s13], [sflag:$0x2] =	stream.indirect_vreg.gather [hbm4b:s9+s3], $0x80, v3, vm0, $0xb8;
	[tilespmem:$0x18080] =	vst v63  }
0x62: {  	s13 =	simm.s32 $0xF080  }
0x63: {  	[tilespmem:s13], [sflag:$0x2] =	stream.indirect_vreg.gather [hbm4b:s10+s3], $0x80, v3, vm0, $0xb8;
	[tilespmem:$0x18080] =	vst v63  }
0x64: {  	s13 =	simm.s32 $0xF880  }
0x65: {  	[tilespmem:s13], [sflag:$0x2] =	stream.indirect_vreg.gather [hbm4b:s11+s3], $0x80, v3, vm0, $0xb8;
	[tilespmem:$0x18080] =	vst v63  }
0x66: {  	v3 =	vld [tilespmem:$0x20];
	_ =	sdelay $0x4  }
0x67: {  	v58 =	vshll.u32 v3, $0x4  }
0x68: {  	v3 =	vand.u32 $0x7, v3;
	v4 =	vand.u32 $0xFFFFFF80, v58  }
0x69: {  	v3 =	vor.u32 v3, v4  }
0x6a: {  	v4 =	vperm.xlane v3, v0;
	_ =	sdelay $0x1  }
0x6b: {  	v4 =	vadd.s32 v1, v4;
	_ =	sdelay $0x4  }
0x6c: {  	[tilespmem:s14], [sflag:$0x3] =	stream.indirect_vreg.gather [hbm4b:s1+s3], $0x80, v4, vm0, $0xb8;
	[tilespmem:$0x18080] =	vst v63  }
0x6d: {  	s13 =	simm.s32 $0x10880  }
0x6e: {  	[tilespmem:s13], [sflag:$0x3] =	stream.indirect_vreg.gather [hbm4b:s5+s3], $0x80, v4, vm0, $0xb8;
	[tilespmem:$0x18080] =	vst v63  }
0x6f: {  	_ = 	snop  }
0x70: {  	[tilespmem:s16], [sflag:$0x3] =	stream.indirect_vreg.gather [hbm4b:s6+s3], $0x80, v4, vm0, $0xb8;
	[tilespmem:$0x18080] =	vst v63  }
0x71: {  	_ = 	snop  }
0x72: {  	[tilespmem:s17], [sflag:$0x3] =	stream.indirect_vreg.gather [hbm4b:s7+s3], $0x80, v4, vm0, $0xb8;
	[tilespmem:$0x18080] =	vst v63  }
0x73: {  	_ = 	snop  }
0x74: {  	[tilespmem:s18], [sflag:$0x3] =	stream.indirect_vreg.gather [hbm4b:s8+s3], $0x80, v4, vm0, $0xb8;
	[tilespmem:$0x18080] =	vst v63  }
0x75: {  	v3 =	vperm.xlane v3, v2  }
0x76: {  	[tilespmem:s19], [sflag:$0x3] =	stream.indirect_vreg.gather [hbm4b:s9+s3], $0x80, v4, vm0, $0xb8;
	[tilespmem:$0x18080] =	vst v63  }
0x77: {  	v3 =	vadd.s32 v1, v3  }
0x78: {  	[tilespmem:s20], [sflag:$0x3] =	stream.indirect_vreg.gather [hbm4b:s10+s3], $0x80, v4, vm0, $0xb8;
	[tilespmem:$0x18080] =	vst v63  }
0x79: {  	_ = 	snop  }
0x7a: {  	[tilespmem:s21], [sflag:$0x3] =	stream.indirect_vreg.gather [hbm4b:s11+s3], $0x80, v4, vm0, $0xb8;
	[tilespmem:$0x18080] =	vst v63  }
0x7b: {  	_ = 	snop  }
0x7c: {  	[tilespmem:s22], [sflag:$0x3] =	stream.indirect_vreg.gather [hbm4b:s1+s3], $0x80, v3, vm0, $0xb8;
	[tilespmem:$0x18080] =	vst v63  }
0x7d: {  	_ = 	snop  }
0x7e: {  	[tilespmem:s23], [sflag:$0x3] =	stream.indirect_vreg.gather [hbm4b:s5+s3], $0x80, v3, vm0, $0xb8;
	[tilespmem:$0x18080] =	vst v63  }
0x7f: {  	_ = 	snop  }
0x80: {  	[tilespmem:s24], [sflag:$0x3] =	stream.indirect_vreg.gather [hbm4b:s6+s3], $0x80, v3, vm0, $0xb8;
	[tilespmem:$0x18080] =	vst v63  }
0x81: {  	_ = 	snop  }
0x82: {  	[tilespmem:s25], [sflag:$0x3] =	stream.indirect_vreg.gather [hbm4b:s7+s3], $0x80, v3, vm0, $0xb8;
	[tilespmem:$0x18080] =	vst v63  }
0x83: {  	_ = 	snop  }
0x84: {  	[tilespmem:s26], [sflag:$0x3] =	stream.indirect_vreg.gather [hbm4b:s8+s3], $0x80, v3, vm0, $0xb8;
	[tilespmem:$0x18080] =	vst v63  }
0x85: {  	s13 =	simm.s32 $0x16880  }
0x86: {  	[tilespmem:s13], [sflag:$0x3] =	stream.indirect_vreg.gather [hbm4b:s9+s3], $0x80, v3, vm0, $0xb8;
	[tilespmem:$0x18080] =	vst v63  }
0x87: {  	s13 =	simm.s32 $0x17080  }
0x88: {  	[tilespmem:s13], [sflag:$0x3] =	stream.indirect_vreg.gather [hbm4b:s10+s3], $0x80, v3, vm0, $0xb8;
	[tilespmem:$0x18080] =	vst v63  }
0x89: {  	s13 =	simm.s32 $0x17880  }
0x8a: {  	[tilespmem:s13], [sflag:$0x3] =	stream.indirect_vreg.gather [hbm4b:s11+s3], $0x80, v3, vm0, $0xb8;
	[tilespmem:$0x18080] =	vst v63  }
0x8b: {  	_ =	swait.ge [sflag:s15], $0x8000  }
0x8c: {  	[sflag:s15] =	ssyncset.done $0x0  }
0x8d: {  	s4 =	rddreg [dreg:$0xc];
	[sflag:s15] =	ssyncadd.s32 $0xFFFF8000  }
0x8e: {  	[hbm4b:s4+s3] =	stream.linear.scatter [tilespmem:s31], [sflag:$0x4], $0x8000, $0x38;
	[tilespmem:$0x18080] =	vst v63  }
0x8f: {  	_ =	swait.ge [sflag:s29], $0x8000  }
0x90: {  	[sflag:s29] =	ssyncset.done $0x0  }
0x91: {  	s4 =	rddreg [dreg:$0x5];
	[sflag:s29] =	ssyncadd.s32 $0xFFFF8000  }
0x92: {  	[hbm4b:s4+s3] =	stream.linear.scatter [tilespmem:s30], [sflag:$0x5], $0x8000, $0x38;
	[tilespmem:$0x18080] =	vst v63  }
0x93: {  	_ =	swait.ge [sflag:s28], $0x8000  }
0x94: {  	[sflag:s28] =	ssyncset.done $0x0  }
0x95: {  	s4 =	rddreg [dreg:$0x6];
	[sflag:s28] =	ssyncadd.s32 $0xFFFF8000  }
0x96: {  	[hbm4b:s4+s3] =	stream.linear.scatter [tilespmem:s14], [sflag:$0x6], $0x8000, $0x38;
	[tilespmem:$0x18080] =	vst v63  }
0x97: {  	_ =	swait.ge [sflag:s0], $0x8000  }
0x98: {  	[sflag:s0] =	ssyncset.done $0x0  }
0x99: {  	[sflag:s0] =	ssyncadd.s32 $0xFFFF8000  }
0x9a: {  	v3 =	vld [tilespmem:$0x30];
	_ =	sdelay $0x4  }
0x9b: {  	v59 =	vshll.u32 v3, $0x4  }
0x9c: {  	v3 =	vand.u32 $0x7, v3;
	v4 =	vand.u32 $0xFFFFFF80, v59  }
0x9d: {  	v3 =	vor.u32 v3, v4  }
0x9e: {  	v4 =	vperm.xlane v3, v0;
	_ =	sdelay $0x1  }
0x9f: {  	v4 =	vadd.s32 v1, v4;
	_ =	sdelay $0x4  }
0xa0: {  	[tilespmem:s31], [sflag:$0x1] =	stream.indirect_vreg.gather [hbm4b:s1+s3], $0x80, v4, vm0, $0xb8;
	[tilespmem:$0x18080] =	vst v63  }
0xa1: {  	s13 =	simm.s32 $0x880  }
0xa2: {  	[tilespmem:s13], [sflag:$0x1] =	stream.indirect_vreg.gather [hbm4b:s5+s3], $0x80, v4, vm0, $0xb8;
	[tilespmem:$0x18080] =	vst v63  }
0xa3: {  	s13 =	simm.s32 $0x1080  }
0xa4: {  	[tilespmem:s13], [sflag:$0x1] =	stream.indirect_vreg.gather [hbm4b:s6+s3], $0x80, v4, vm0, $0xb8;
	[tilespmem:$0x18080] =	vst v63  }
0xa5: {  	s13 =	simm.s32 $0x1880  }
0xa6: {  	[tilespmem:s13], [sflag:$0x1] =	stream.indirect_vreg.gather [hbm4b:s7+s3], $0x80, v4, vm0, $0xb8;
	[tilespmem:$0x18080] =	vst v63  }
0xa7: {  	s13 =	simm.s32 $0x2080  }
0xa8: {  	[tilespmem:s13], [sflag:$0x1] =	stream.indirect_vreg.gather [hbm4b:s8+s3], $0x80, v4, vm0, $0xb8;
	[tilespmem:$0x18080] =	vst v63  }
0xa9: {  	v3 =	vperm.xlane v3, v2;
	s13 =	simm.s32 $0x2880  }
0xaa: {  	[tilespmem:s13], [sflag:$0x1] =	stream.indirect_vreg.gather [hbm4b:s9+s3], $0x80, v4, vm0, $0xb8;
	[tilespmem:$0x18080] =	vst v63  }
0xab: {  	v3 =	vadd.s32 v1, v3;
	s13 =	simm.s32 $0x3080  }
0xac: {  	[tilespmem:s13], [sflag:$0x1] =	stream.indirect_vreg.gather [hbm4b:s10+s3], $0x80, v4, vm0, $0xb8;
	[tilespmem:$0x18080] =	vst v63  }
0xad: {  	s13 =	simm.s32 $0x3880  }
0xae: {  	[tilespmem:s13], [sflag:$0x1] =	stream.indirect_vreg.gather [hbm4b:s11+s3], $0x80, v4, vm0, $0xb8;
	[tilespmem:$0x18080] =	vst v63  }
0xaf: {  	s13 =	simm.s32 $0x4080  }
0xb0: {  	[tilespmem:s13], [sflag:$0x1] =	stream.indirect_vreg.gather [hbm4b:s1+s3], $0x80, v3, vm0, $0xb8;
	[tilespmem:$0x18080] =	vst v63  }
0xb1: {  	s13 =	simm.s32 $0x4880  }
0xb2: {  	[tilespmem:s13], [sflag:$0x1] =	stream.indirect_vreg.gather [hbm4b:s5+s3], $0x80, v3, vm0, $0xb8;
	[tilespmem:$0x18080] =	vst v63  }
0xb3: {  	s13 =	simm.s32 $0x5080  }
0xb4: {  	[tilespmem:s13], [sflag:$0x1] =	stream.indirect_vreg.gather [hbm4b:s6+s3], $0x80, v3, vm0, $0xb8;
	[tilespmem:$0x18080] =	vst v63  }
0xb5: {  	s13 =	simm.s32 $0x5880  }
0xb6: {  	[tilespmem:s13], [sflag:$0x1] =	stream.indirect_vreg.gather [hbm4b:s7+s3], $0x80, v3, vm0, $0xb8;
	[tilespmem:$0x18080] =	vst v63  }
0xb7: {  	s13 =	simm.s32 $0x6080  }
0xb8: {  	[tilespmem:s13], [sflag:$0x1] =	stream.indirect_vreg.gather [hbm4b:s8+s3], $0x80, v3, vm0, $0xb8;
	[tilespmem:$0x18080] =	vst v63  }
0xb9: {  	s13 =	simm.s32 $0x6880  }
0xba: {  	[tilespmem:s13], [sflag:$0x1] =	stream.indirect_vreg.gather [hbm4b:s9+s3], $0x80, v3, vm0, $0xb8;
	[tilespmem:$0x18080] =	vst v63  }
0xbb: {  	s13 =	simm.s32 $0x7080  }
0xbc: {  	[tilespmem:s13], [sflag:$0x1] =	stream.indirect_vreg.gather [hbm4b:s10+s3], $0x80, v3, vm0, $0xb8;
	[tilespmem:$0x18080] =	vst v63  }
0xbd: {  	s13 =	simm.s32 $0x7880  }
0xbe: {  	[tilespmem:s13], [sflag:$0x1] =	stream.indirect_vreg.gather [hbm4b:s11+s3], $0x80, v3, vm0, $0xb8;
	[tilespmem:$0x18080] =	vst v63  }
0xbf: {  	_ =	swait.ge [sflag:s15], $0x8000  }
0xc0: {  	[sflag:s15] =	ssyncset.done $0x0  }
0xc1: {  	s4 =	rddreg [dreg:$0x7];
	[sflag:s15] =	ssyncadd.s32 $0xFFFF8000  }
0xc2: {  	[hbm4b:s4+s3] =	stream.linear.scatter [tilespmem:s31], [sflag:$0x4], $0x8000, $0x38;
	[tilespmem:$0x18080] =	vst v63  }
0xc3: {  	_ =	swait.ge [sflag:s2], $0x8000  }
0xc4: {  	[sflag:s2] =	ssyncset.done $0x0  }
0xc5: {  	[sflag:s2] =	ssyncadd.s32 $0xFFFF8000  }
0xc6: {  	v3 =	vld [tilespmem:$0x40];
	_ =	sdelay $0x4  }
0xc7: {  	v60 =	vshll.u32 v3, $0x4  }
0xc8: {  	v3 =	vand.u32 $0x7, v3;
	v4 =	vand.u32 $0xFFFFFF80, v60  }
0xc9: {  	v3 =	vor.u32 v3, v4  }
0xca: {  	v4 =	vperm.xlane v3, v0;
	_ =	sdelay $0x1  }
0xcb: {  	v4 =	vadd.s32 v1, v4;
	_ =	sdelay $0x4  }
0xcc: {  	[tilespmem:s30], [sflag:$0x2] =	stream.indirect_vreg.gather [hbm4b:s1+s3], $0x80, v4, vm0, $0xb8;
	[tilespmem:$0x18080] =	vst v63  }
0xcd: {  	s13 =	simm.s32 $0x8880  }
0xce: {  	[tilespmem:s13], [sflag:$0x2] =	stream.indirect_vreg.gather [hbm4b:s5+s3], $0x80, v4, vm0, $0xb8;
	[tilespmem:$0x18080] =	vst v63  }
0xcf: {  	s13 =	simm.s32 $0x9080  }
0xd0: {  	[tilespmem:s13], [sflag:$0x2] =	stream.indirect_vreg.gather [hbm4b:s6+s3], $0x80, v4, vm0, $0xb8;
	[tilespmem:$0x18080] =	vst v63  }
0xd1: {  	s13 =	simm.s32 $0x9880  }
0xd2: {  	[tilespmem:s13], [sflag:$0x2] =	stream.indirect_vreg.gather [hbm4b:s7+s3], $0x80, v4, vm0, $0xb8;
	[tilespmem:$0x18080] =	vst v63  }
0xd3: {  	s13 =	simm.s32 $0xA080  }
0xd4: {  	[tilespmem:s13], [sflag:$0x2] =	stream.indirect_vreg.gather [hbm4b:s8+s3], $0x80, v4, vm0, $0xb8;
	[tilespmem:$0x18080] =	vst v63  }
0xd5: {  	v3 =	vperm.xlane v3, v2;
	s13 =	simm.s32 $0xA880  }
0xd6: {  	[tilespmem:s13], [sflag:$0x2] =	stream.indirect_vreg.gather [hbm4b:s9+s3], $0x80, v4, vm0, $0xb8;
	[tilespmem:$0x18080] =	vst v63  }
0xd7: {  	v3 =	vadd.s32 v1, v3;
	s13 =	simm.s32 $0xB080  }
0xd8: {  	[tilespmem:s13], [sflag:$0x2] =	stream.indirect_vreg.gather [hbm4b:s10+s3], $0x80, v4, vm0, $0xb8;
	[tilespmem:$0x18080] =	vst v63  }
0xd9: {  	s13 =	simm.s32 $0xB880  }
0xda: {  	[tilespmem:s13], [sflag:$0x2] =	stream.indirect_vreg.gather [hbm4b:s11+s3], $0x80, v4, vm0, $0xb8;
	[tilespmem:$0x18080] =	vst v63  }
0xdb: {  	s13 =	simm.s32 $0xC080  }
0xdc: {  	[tilespmem:s13], [sflag:$0x2] =	stream.indirect_vreg.gather [hbm4b:s1+s3], $0x80, v3, vm0, $0xb8;
	[tilespmem:$0x18080] =	vst v63  }
0xdd: {  	s13 =	simm.s32 $0xC880  }
0xde: {  	[tilespmem:s13], [sflag:$0x2] =	stream.indirect_vreg.gather [hbm4b:s5+s3], $0x80, v3, vm0, $0xb8;
	[tilespmem:$0x18080] =	vst v63  }
0xdf: {  	s13 =	simm.s32 $0xD080  }
0xe0: {  	[tilespmem:s13], [sflag:$0x2] =	stream.indirect_vreg.gather [hbm4b:s6+s3], $0x80, v3, vm0, $0xb8;
	[tilespmem:$0x18080] =	vst v63  }
0xe1: {  	s13 =	simm.s32 $0xD880  }
0xe2: {  	[tilespmem:s13], [sflag:$0x2] =	stream.indirect_vreg.gather [hbm4b:s7+s3], $0x80, v3, vm0, $0xb8;
	[tilespmem:$0x18080] =	vst v63  }
0xe3: {  	s13 =	simm.s32 $0xE080  }
0xe4: {  	[tilespmem:s13], [sflag:$0x2] =	stream.indirect_vreg.gather [hbm4b:s8+s3], $0x80, v3, vm0, $0xb8;
	[tilespmem:$0x18080] =	vst v63  }
0xe5: {  	s13 =	simm.s32 $0xE880  }
0xe6: {  	[tilespmem:s13], [sflag:$0x2] =	stream.indirect_vreg.gather [hbm4b:s9+s3], $0x80, v3, vm0, $0xb8;
	[tilespmem:$0x18080] =	vst v63  }
0xe7: {  	s13 =	simm.s32 $0xF080  }
0xe8: {  	[tilespmem:s13], [sflag:$0x2] =	stream.indirect_vreg.gather [hbm4b:s10+s3], $0x80, v3, vm0, $0xb8;
	[tilespmem:$0x18080] =	vst v63  }
0xe9: {  	s13 =	simm.s32 $0xF880  }
0xea: {  	[tilespmem:s13], [sflag:$0x2] =	stream.indirect_vreg.gather [hbm4b:s11+s3], $0x80, v3, vm0, $0xb8;
	[tilespmem:$0x18080] =	vst v63  }
0xeb: {  	_ =	swait.ge [sflag:s29], $0x8000  }
0xec: {  	[sflag:s29] =	ssyncset.done $0x0  }
0xed: {  	s4 =	rddreg [dreg:$0x8];
	[sflag:s29] =	ssyncadd.s32 $0xFFFF8000  }
0xee: {  	[hbm4b:s4+s3] =	stream.linear.scatter [tilespmem:s30], [sflag:$0x5], $0x8000, $0x38;
	[tilespmem:$0x18080] =	vst v63  }
0xef: {  	s4 =	simm.s32 $0x6  }
0xf0: {  	_ =	swait.ge [sflag:s4], $0x8000  }
0xf1: {  	[sflag:s4] =	ssyncset.done $0x0  }
0xf2: {  	[sflag:s4] =	ssyncadd.s32 $0xFFFF8000  }
0xf3: {  	v3 =	vld [tilespmem:$0x50];
	_ =	sdelay $0x4  }
0xf4: {  	v61 =	vshll.u32 v3, $0x4  }
0xf5: {  	v3 =	vand.u32 $0x7, v3;
	v4 =	vand.u32 $0xFFFFFF80, v61  }
0xf6: {  	v3 =	vor.u32 v3, v4  }
0xf7: {  	v4 =	vperm.xlane v3, v0;
	_ =	sdelay $0x1  }
0xf8: {  	v4 =	vadd.s32 v1, v4;
	_ =	sdelay $0x4  }
0xf9: {  	[tilespmem:s14], [sflag:$0x3] =	stream.indirect_vreg.gather [hbm4b:s1+s3], $0x80, v4, vm0, $0xb8;
	[tilespmem:$0x18080] =	vst v63  }
0xfa: {  	s13 =	simm.s32 $0x10880  }
0xfb: {  	[tilespmem:s13], [sflag:$0x3] =	stream.indirect_vreg.gather [hbm4b:s5+s3], $0x80, v4, vm0, $0xb8;
	[tilespmem:$0x18080] =	vst v63  }
0xfc: {  	_ = 	snop  }
0xfd: {  	[tilespmem:s16], [sflag:$0x3] =	stream.indirect_vreg.gather [hbm4b:s6+s3], $0x80, v4, vm0, $0xb8;
	[tilespmem:$0x18080] =	vst v63  }
0xfe: {  	_ = 	snop  }
0xff: {  	[tilespmem:s17], [sflag:$0x3] =	stream.indirect_vreg.gather [hbm4b:s7+s3], $0x80, v4, vm0, $0xb8;
	[tilespmem:$0x18080] =	vst v63  }
0x100: {  	_ = 	snop  }
0x101: {  	[tilespmem:s18], [sflag:$0x3] =	stream.indirect_vreg.gather [hbm4b:s8+s3], $0x80, v4, vm0, $0xb8;
	[tilespmem:$0x18080] =	vst v63  }
0x102: {  	v3 =	vperm.xlane v3, v2  }
0x103: {  	[tilespmem:s19], [sflag:$0x3] =	stream.indirect_vreg.gather [hbm4b:s9+s3], $0x80, v4, vm0, $0xb8;
	[tilespmem:$0x18080] =	vst v63  }
0x104: {  	v3 =	vadd.s32 v1, v3  }
0x105: {  	[tilespmem:s20], [sflag:$0x3] =	stream.indirect_vreg.gather [hbm4b:s10+s3], $0x80, v4, vm0, $0xb8;
	[tilespmem:$0x18080] =	vst v63  }
0x106: {  	_ = 	snop  }
0x107: {  	[tilespmem:s21], [sflag:$0x3] =	stream.indirect_vreg.gather [hbm4b:s11+s3], $0x80, v4, vm0, $0xb8;
	[tilespmem:$0x18080] =	vst v63  }
0x108: {  	_ = 	snop  }
0x109: {  	[tilespmem:s22], [sflag:$0x3] =	stream.indirect_vreg.gather [hbm4b:s1+s3], $0x80, v3, vm0, $0xb8;
	[tilespmem:$0x18080] =	vst v63  }
0x10a: {  	_ = 	snop  }
0x10b: {  	[tilespmem:s23], [sflag:$0x3] =	stream.indirect_vreg.gather [hbm4b:s5+s3], $0x80, v3, vm0, $0xb8;
	[tilespmem:$0x18080] =	vst v63  }
0x10c: {  	_ = 	snop  }
0x10d: {  	[tilespmem:s24], [sflag:$0x3] =	stream.indirect_vreg.gather [hbm4b:s6+s3], $0x80, v3, vm0, $0xb8;
	[tilespmem:$0x18080] =	vst v63  }
0x10e: {  	_ = 	snop  }
0x10f: {  	[tilespmem:s25], [sflag:$0x3] =	stream.indirect_vreg.gather [hbm4b:s7+s3], $0x80, v3, vm0, $0xb8;
	[tilespmem:$0x18080] =	vst v63  }
0x110: {  	_ = 	snop  }
0x111: {  	[tilespmem:s26], [sflag:$0x3] =	stream.indirect_vreg.gather [hbm4b:s8+s3], $0x80, v3, vm0, $0xb8;
	[tilespmem:$0x18080] =	vst v63  }
0x112: {  	s13 =	simm.s32 $0x16880  }
0x113: {  	[tilespmem:s13], [sflag:$0x3] =	stream.indirect_vreg.gather [hbm4b:s9+s3], $0x80, v3, vm0, $0xb8;
	[tilespmem:$0x18080] =	vst v63  }
0x114: {  	s13 =	simm.s32 $0x17080  }
0x115: {  	[tilespmem:s13], [sflag:$0x3] =	stream.indirect_vreg.gather [hbm4b:s10+s3], $0x80, v3, vm0, $0xb8;
	[tilespmem:$0x18080] =	vst v63  }
0x116: {  	s13 =	simm.s32 $0x17880  }
0x117: {  	[tilespmem:s13], [sflag:$0x3] =	stream.indirect_vreg.gather [hbm4b:s11+s3], $0x80, v3, vm0, $0xb8;
	[tilespmem:$0x18080] =	vst v63  }
0x118: {  	_ =	swait.ge [sflag:s28], $0x8000  }
0x119: {  	[sflag:s28] =	ssyncset.done $0x0  }
0x11a: {  	s13 =	rddreg [dreg:$0x9];
	[sflag:s28] =	ssyncadd.s32 $0xFFFF8000  }
0x11b: {  	[hbm4b:s13+s3] =	stream.linear.scatter [tilespmem:s14], [sflag:$0x6], $0x8000, $0x38;
	[tilespmem:$0x18080] =	vst v63  }
0x11c: {  	_ =	swait.ge [sflag:s0], $0x8000  }
0x11d: {  	[sflag:s0] =	ssyncset.done $0x0  }
0x11e: {  	[sflag:s0] =	ssyncadd.s32 $0xFFFF8000  }
0x11f: {  	v3 =	vld [tilespmem:$0x60];
	_ =	sdelay $0x4  }
0x120: {  	v62 =	vshll.u32 v3, $0x4  }
0x121: {  	v3 =	vand.u32 $0x7, v3;
	v4 =	vand.u32 $0xFFFFFF80, v62  }
0x122: {  	v3 =	vor.u32 v3, v4  }
0x123: {  	v4 =	vperm.xlane v3, v0;
	_ =	sdelay $0x1  }
0x124: {  	v4 =	vadd.s32 v1, v4;
	_ =	sdelay $0x4  }
0x125: {  	[tilespmem:s31], [sflag:$0x1] =	stream.indirect_vreg.gather [hbm4b:s1+s3], $0x80, v4, vm0, $0xb8;
	[tilespmem:$0x18080] =	vst v63  }
0x126: {  	s13 =	simm.s32 $0x880  }
0x127: {  	[tilespmem:s13], [sflag:$0x1] =	stream.indirect_vreg.gather [hbm4b:s5+s3], $0x80, v4, vm0, $0xb8;
	[tilespmem:$0x18080] =	vst v63  }
0x128: {  	s13 =	simm.s32 $0x1080  }
0x129: {  	[tilespmem:s13], [sflag:$0x1] =	stream.indirect_vreg.gather [hbm4b:s6+s3], $0x80, v4, vm0, $0xb8;
	[tilespmem:$0x18080] =	vst v63  }
0x12a: {  	s13 =	simm.s32 $0x1880  }
0x12b: {  	[tilespmem:s13], [sflag:$0x1] =	stream.indirect_vreg.gather [hbm4b:s7+s3], $0x80, v4, vm0, $0xb8;
	[tilespmem:$0x18080] =	vst v63  }
0x12c: {  	s13 =	simm.s32 $0x2080  }
0x12d: {  	[tilespmem:s13], [sflag:$0x1] =	stream.indirect_vreg.gather [hbm4b:s8+s3], $0x80, v4, vm0, $0xb8;
	[tilespmem:$0x18080] =	vst v63  }
0x12e: {  	v3 =	vperm.xlane v3, v2;
	s13 =	simm.s32 $0x2880  }
0x12f: {  	[tilespmem:s13], [sflag:$0x1] =	stream.indirect_vreg.gather [hbm4b:s9+s3], $0x80, v4, vm0, $0xb8;
	[tilespmem:$0x18080] =	vst v63  }
0x130: {  	v3 =	vadd.s32 v1, v3;
	s13 =	simm.s32 $0x3080  }
0x131: {  	[tilespmem:s13], [sflag:$0x1] =	stream.indirect_vreg.gather [hbm4b:s10+s3], $0x80, v4, vm0, $0xb8;
	[tilespmem:$0x18080] =	vst v63  }
0x132: {  	s13 =	simm.s32 $0x3880  }
0x133: {  	[tilespmem:s13], [sflag:$0x1] =	stream.indirect_vreg.gather [hbm4b:s11+s3], $0x80, v4, vm0, $0xb8;
	[tilespmem:$0x18080] =	vst v63  }
0x134: {  	s13 =	simm.s32 $0x4080  }
0x135: {  	[tilespmem:s13], [sflag:$0x1] =	stream.indirect_vreg.gather [hbm4b:s1+s3], $0x80, v3, vm0, $0xb8;
	[tilespmem:$0x18080] =	vst v63  }
0x136: {  	s13 =	simm.s32 $0x4880  }
0x137: {  	[tilespmem:s13], [sflag:$0x1] =	stream.indirect_vreg.gather [hbm4b:s5+s3], $0x80, v3, vm0, $0xb8;
	[tilespmem:$0x18080] =	vst v63  }
0x138: {  	s13 =	simm.s32 $0x5080  }
0x139: {  	[tilespmem:s13], [sflag:$0x1] =	stream.indirect_vreg.gather [hbm4b:s6+s3], $0x80, v3, vm0, $0xb8;
	[tilespmem:$0x18080] =	vst v63  }
0x13a: {  	s13 =	simm.s32 $0x5880  }
0x13b: {  	[tilespmem:s13], [sflag:$0x1] =	stream.indirect_vreg.gather [hbm4b:s7+s3], $0x80, v3, vm0, $0xb8;
	[tilespmem:$0x18080] =	vst v63  }
0x13c: {  	s13 =	simm.s32 $0x6080  }
0x13d: {  	[tilespmem:s13], [sflag:$0x1] =	stream.indirect_vreg.gather [hbm4b:s8+s3], $0x80, v3, vm0, $0xb8;
	[tilespmem:$0x18080] =	vst v63  }
0x13e: {  	s13 =	simm.s32 $0x6880  }
0x13f: {  	[tilespmem:s13], [sflag:$0x1] =	stream.indirect_vreg.gather [hbm4b:s9+s3], $0x80, v3, vm0, $0xb8;
	[tilespmem:$0x18080] =	vst v63  }
0x140: {  	s13 =	simm.s32 $0x7080  }
0x141: {  	[tilespmem:s13], [sflag:$0x1] =	stream.indirect_vreg.gather [hbm4b:s10+s3], $0x80, v3, vm0, $0xb8;
	[tilespmem:$0x18080] =	vst v63  }
0x142: {  	s13 =	simm.s32 $0x7880  }
0x143: {  	[tilespmem:s13], [sflag:$0x1] =	stream.indirect_vreg.gather [hbm4b:s11+s3], $0x80, v3, vm0, $0xb8;
	[tilespmem:$0x18080] =	vst v63  }
0x144: {  	_ =	swait.ge [sflag:s15], $0x8000  }
0x145: {  	[sflag:s15] =	ssyncset.done $0x0  }
0x146: {  	s13 =	rddreg [dreg:$0xa];
	[sflag:s15] =	ssyncadd.s32 $0xFFFF8000  }
0x147: {  	[hbm4b:s13+s3] =	stream.linear.scatter [tilespmem:s31], [sflag:$0x4], $0x8000, $0x38;
	[tilespmem:$0x18080] =	vst v63  }
0x148: {  	_ =	swait.ge [sflag:s2], $0x8000  }
0x149: {  	[sflag:s2] =	ssyncset.done $0x0  }
0x14a: {  	[sflag:s2] =	ssyncadd.s32 $0xFFFF8000  }
0x14b: {  	v3 =	vld [tilespmem:$0x70];
	_ =	sdelay $0x4  }
0x14c: {  	v63 =	vshll.u32 v3, $0x4  }
0x14d: {  	v3 =	vand.u32 $0x7, v3;
	v4 =	vand.u32 $0xFFFFFF80, v63  }
0x14e: {  	v3 =	vor.u32 v3, v4  }
0x14f: {  	v4 =	vperm.xlane v3, v0;
	_ =	sdelay $0x1  }
0x150: {  	v4 =	vadd.s32 v1, v4;
	_ =	sdelay $0x4  }
0x151: {  	[tilespmem:s30], [sflag:$0x2] =	stream.indirect_vreg.gather [hbm4b:s1+s3], $0x80, v4, vm0, $0xb8;
	[tilespmem:$0x18080] =	vst v63  }
0x152: {  	s13 =	simm.s32 $0x8880  }
0x153: {  	[tilespmem:s13], [sflag:$0x2] =	stream.indirect_vreg.gather [hbm4b:s5+s3], $0x80, v4, vm0, $0xb8;
	[tilespmem:$0x18080] =	vst v63  }
0x154: {  	s13 =	simm.s32 $0x9080  }
0x155: {  	[tilespmem:s13], [sflag:$0x2] =	stream.indirect_vreg.gather [hbm4b:s6+s3], $0x80, v4, vm0, $0xb8;
	[tilespmem:$0x18080] =	vst v63  }
0x156: {  	s13 =	simm.s32 $0x9880  }
0x157: {  	[tilespmem:s13], [sflag:$0x2] =	stream.indirect_vreg.gather [hbm4b:s7+s3], $0x80, v4, vm0, $0xb8;
	[tilespmem:$0x18080] =	vst v63  }
0x158: {  	s13 =	simm.s32 $0xA080  }
0x159: {  	[tilespmem:s13], [sflag:$0x2] =	stream.indirect_vreg.gather [hbm4b:s8+s3], $0x80, v4, vm0, $0xb8;
	[tilespmem:$0x18080] =	vst v63  }
0x15a: {  	v3 =	vperm.xlane v3, v2;
	s13 =	simm.s32 $0xA880  }
0x15b: {  	[tilespmem:s13], [sflag:$0x2] =	stream.indirect_vreg.gather [hbm4b:s9+s3], $0x80, v4, vm0, $0xb8;
	[tilespmem:$0x18080] =	vst v63  }
0x15c: {  	v3 =	vadd.s32 v1, v3;
	s13 =	simm.s32 $0xB080  }
0x15d: {  	[tilespmem:s13], [sflag:$0x2] =	stream.indirect_vreg.gather [hbm4b:s10+s3], $0x80, v4, vm0, $0xb8;
	[tilespmem:$0x18080] =	vst v63  }
0x15e: {  	s13 =	simm.s32 $0xB880  }
0x15f: {  	[tilespmem:s13], [sflag:$0x2] =	stream.indirect_vreg.gather [hbm4b:s11+s3], $0x80, v4, vm0, $0xb8;
	[tilespmem:$0x18080] =	vst v63  }
0x160: {  	s13 =	simm.s32 $0xC080  }
0x161: {  	[tilespmem:s13], [sflag:$0x2] =	stream.indirect_vreg.gather [hbm4b:s1+s3], $0x80, v3, vm0, $0xb8;
	[tilespmem:$0x18080] =	vst v63  }
0x162: {  	s13 =	simm.s32 $0xC880  }
0x163: {  	[tilespmem:s13], [sflag:$0x2] =	stream.indirect_vreg.gather [hbm4b:s5+s3], $0x80, v3, vm0, $0xb8;
	[tilespmem:$0x18080] =	vst v63  }
0x164: {  	s13 =	simm.s32 $0xD080  }
0x165: {  	[tilespmem:s13], [sflag:$0x2] =	stream.indirect_vreg.gather [hbm4b:s6+s3], $0x80, v3, vm0, $0xb8;
	[tilespmem:$0x18080] =	vst v63  }
0x166: {  	s13 =	simm.s32 $0xD880  }
0x167: {  	[tilespmem:s13], [sflag:$0x2] =	stream.indirect_vreg.gather [hbm4b:s7+s3], $0x80, v3, vm0, $0xb8;
	[tilespmem:$0x18080] =	vst v63  }
0x168: {  	s13 =	simm.s32 $0xE080  }
0x169: {  	[tilespmem:s13], [sflag:$0x2] =	stream.indirect_vreg.gather [hbm4b:s8+s3], $0x80, v3, vm0, $0xb8;
	[tilespmem:$0x18080] =	vst v63  }
0x16a: {  	s13 =	simm.s32 $0xE880  }
0x16b: {  	[tilespmem:s13], [sflag:$0x2] =	stream.indirect_vreg.gather [hbm4b:s9+s3], $0x80, v3, vm0, $0xb8;
	[tilespmem:$0x18080] =	vst v63  }
0x16c: {  	s13 =	simm.s32 $0xF080  }
0x16d: {  	[tilespmem:s13], [sflag:$0x2] =	stream.indirect_vreg.gather [hbm4b:s10+s3], $0x80, v3, vm0, $0xb8;
	[tilespmem:$0x18080] =	vst v63  }
0x16e: {  	s13 =	simm.s32 $0xF880  }
0x16f: {  	[tilespmem:s13], [sflag:$0x2] =	stream.indirect_vreg.gather [hbm4b:s11+s3], $0x80, v3, vm0, $0xb8;
	[tilespmem:$0x18080] =	vst v63  }
0x170: {  	_ =	swait.ge [sflag:s29], $0x8000  }
0x171: {  	[sflag:s29] =	ssyncset.done $0x0  }
0x172: {  	s13 =	rddreg [dreg:$0xb];
	[sflag:s29] =	ssyncadd.s32 $0xFFFF8000  }
0x173: {  	[hbm4b:s13+s3] =	stream.linear.scatter [tilespmem:s30], [sflag:$0x5], $0x8000, $0x38;
	[tilespmem:$0x18080] =	vst v63  }
0x174: {  	_ =	swait.ge [sflag:s4], $0x8000  }
0x175: {  	[sflag:s4] =	ssyncset.done $0x0  }
0x176: {  	[sflag:s4] =	ssyncadd.s32 $0xFFFF8000  }
0x177: {  	p0 =	sne.s32 s12, $0x1;
	_ =	swait.ge [sflag:s0], $0x8000  }
.Ltmp0:
0x178: {  	[sflag:s0] =	ssyncset.done $0x0;
	(pc) =	sbr.rel @p0 .LBB2_1-.Ltmp0, $4  }
0x179: {  	[sflag:s0] =	ssyncadd.s32 $0xFFFF8000  }
0x17a: {  	_ =	swait.ge [sflag:s2], $0x8000  }
0x17b: {  	[sflag:s2] =	ssyncset.done $0x0  }
0x17c: {  	s12 =	sadd.s32 $0xFFFFFFFF, s12;
	[sflag:s2] =	ssyncadd.s32 $0xFFFF8000  }
0x17d: {  	_ =	sfence.sel $0x180000  }
0x17e: {  	[bflag:$0x0] =	sbarrier.arrive $0xFFFF  }
0x17f: {  	_ =	strace $0x90000047  }
0x180: {  	s0 =	stileid.u32;
	[bflag:$0x2] =	sbarrier.arrive $0xFFFF  }
0x181: {  	p0 =	sne.s32 s0, $0x0;
	s0 =	rddreg [dreg:$0x3]  }
0x182: {  	s0 =	sadd.s32 @!p0 $0x100000, s0  }
0x183: {  	[sflag:s0] =	ssyncadd.tile.s32 @!p0 $0x1;
	_ =	shalt  }
.Lfunc_end2:
_tile_overlayer_lowered:
.L_overlay_start_2:
0x184: {  	(tag) =	ssettag $0x2  }
0x185: {  	s0 =	rddreg [dreg:$0x0];
	s2 =	stileid.u32  }
0x186: {  	s1 =	rddreg [dreg:$0x1];
	p0 =	sne.s32 s2, $0x0  }
0x187: {  	s3 =	rddreg [dreg:$0x2];
	[bflag:$0x3] =	sbarrier.arrive $0xFFFF;
	s2 =	simm.s32 @!p0 $0x1C07  }
0x188: {  	[timem:s3], [sflag:s2] =	dma.local @!p0 [hbm:s0], s1  }
0x189: {  	s0 =	simm.s32 @!p0 $0x7  }
0x18a: {  	_ =	swait.ge @!p0 [sflag:s0], s1  }
0x18b: {  	s1 =	ssub.s32 @!p0 $0x0, s1;
	[sflag:s0] =	ssyncset.done @!p0 $0x0  }
0x18c: {  	[sflag:s0] =	ssyncadd.s32 @!p0 s1  }
0x18d: {  	[bflag:$0x3] =	sbarrier.arrive $0xFFFF  }
0x18e: {  	_ =	shalt  }

</sc_bundles>
